<compile_context>
chip_gen: v7x
topology: tpu7x:2x2x1
jax: 0.10.2.dev20260603
libtpu: 0.0.44.dev20260713+nightly
codegen_flags: <defaults>
</compile_context>

<pallas_src>
import functools

import jax
import jax.numpy as jnp
from jax import lax
from jax.experimental import pallas as pl
from jax.experimental.pallas import tpu as pltpu
from jax.experimental.pallas import tpu_sc as plsc

NW = 32
NT = 16
CH = 128


def _zero_rows(buf, n_rows, n_colgrp):
    def zb(i, _):
        r = i // n_colgrp
        c = i % n_colgrp
        buf[r, pl.ds(c * 16, 16)] = jnp.zeros((16,), jnp.float32)
        return 0
    lax.fori_loop(0, n_rows * n_colgrp, zb, 0)


def _deg_call(dstp, npad, cpw):
    mesh = plsc.VectorSubcoreMesh(core_axis_name="c", subcore_axis_name="s")
    rpt = npad // NT
    nz = rpt // CH

    @functools.partial(
        pl.kernel, mesh=mesh,
        out_type=jax.ShapeDtypeStruct((2, npad, 16), jnp.float32),
        scratch_types=[
            pltpu.VMEM((cpw, CH), jnp.int32),
            pltpu.VMEM((CH, 16), jnp.float32),
            pltpu.VMEM_SHARED((npad, 16), jnp.float32),
        ],
    )
    def deg_k(dstp_hbm, out_hbm, dst_v, buf_v, acc):
        cid = lax.axis_index("c")
        sid = lax.axis_index("s")
        wid = cid * NT + sid
        _zero_rows(buf_v, CH, 1)

        def zs(k, _):
            pltpu.sync_copy(buf_v, acc.at[pl.ds(sid * rpt + k * CH, CH)])
            return 0
        lax.fori_loop(0, nz, zs, 0)

        def ob(i, _):
            buf_v[i, :] = jnp.ones((16,), jnp.float32)
            return 0
        lax.fori_loop(0, CH, ob, 0)
        plsc.subcore_barrier()

        pltpu.sync_copy(dstp_hbm.at[wid], dst_v)

        def body(j, _):
            pltpu.sync_copy(buf_v, acc.at[dst_v.at[j]], add=True)
            return 0
        lax.fori_loop(0, cpw, body, 0)
        plsc.subcore_barrier()

        pltpu.sync_copy(acc.at[pl.ds(sid * rpt, rpt)],
                        out_hbm.at[cid].at[pl.ds(sid * rpt, rpt)])

    return deg_k(dstp)


def _scatter_call(hp, srcp, dstp, npad, cpw):
    mesh = plsc.VectorSubcoreMesh(core_axis_name="c", subcore_axis_name="s")
    rpt = npad // NT
    nz = rpt // CH
    f = hp.shape[1]

    @functools.partial(
        pl.kernel, mesh=mesh,
        out_type=jax.ShapeDtypeStruct((2, npad, f), jnp.float32),
        scratch_types=[
            pltpu.VMEM((cpw, CH), jnp.int32),
            pltpu.VMEM((cpw, CH), jnp.int32),
            pltpu.VMEM((CH, f), jnp.float32),
            pltpu.VMEM_SHARED((npad, f), jnp.float32),
            pltpu.SemaphoreType.DMA,
        ],
    )
    def scat_k(hp_hbm, srcp_hbm, dstp_hbm, out_hbm, src_v, dst_v, rows_v,
               acc, sem):
        cid = lax.axis_index("c")
        sid = lax.axis_index("s")
        wid = cid * NT + sid
        _zero_rows(rows_v, CH, f // 16)

        def zs(k, _):
            pltpu.sync_copy(rows_v, acc.at[pl.ds(sid * rpt + k * CH, CH)])
            return 0
        lax.fori_loop(0, nz, zs, 0)

        pltpu.sync_copy(srcp_hbm.at[wid], src_v)
        pltpu.sync_copy(dstp_hbm.at[wid], dst_v)
        plsc.subcore_barrier()

        def body(j, _):
            pltpu.async_copy(hp_hbm.at[src_v.at[j]], rows_v, sem).wait()
            pltpu.sync_copy(rows_v, acc.at[dst_v.at[j]], add=True)
            return 0
        lax.fori_loop(0, cpw, body, 0)
        plsc.subcore_barrier()

        pltpu.sync_copy(acc.at[pl.ds(sid * rpt, rpt)],
                        out_hbm.at[cid].at[pl.ds(sid * rpt, rpt)])

    return scat_k(hp, srcp, dstp)


def _tc1_body(x_ref, w_ref, degp_ref, o_ref):
    h = jnp.dot(x_ref[...], w_ref[...], preferred_element_type=jnp.float32)
    deg = degp_ref[0, :, 0:1] + degp_ref[1, :, 0:1] + 1.0
    o_ref[...] = h * lax.rsqrt(deg)


def _tc2_body(sp_ref, hp_ref, degp_ref, b_ref, w_ref, o_ref):
    s = sp_ref[0] + sp_ref[1]
    deg = degp_ref[0, :, 0:1] + degp_ref[1, :, 0:1] + 1.0
    dinv = lax.rsqrt(deg)
    o1 = jnp.tanh(dinv * (s + hp_ref[...]) + b_ref[...])
    h2 = jnp.dot(o1, w_ref[...], preferred_element_type=jnp.float32)
    o_ref[...] = h2 * dinv


def _tc3_body(sp_ref, hp_ref, degp_ref, b_ref, wc_ref, bc_ref,
              logit_ref, h_ref):
    s = sp_ref[0] + sp_ref[1]
    deg = degp_ref[0, :, 0:1] + degp_ref[1, :, 0:1] + 1.0
    dinv = lax.rsqrt(deg)
    o2 = jnp.tanh(dinv * (s + hp_ref[...]) + b_ref[...])
    h_ref[...] = o2
    logit_ref[...] = (
        jnp.dot(o2, wc_ref[...], preferred_element_type=jnp.float32)
        + bc_ref[...])


def kernel(x, edge_index, W1, b1, W2, b2, Wc, bc):
    n, f = x.shape
    e = edge_index.shape[1]
    n_cls = Wc.shape[1]
    cpw = 4 * (-(-e // (NW * CH * 4)))
    ep = NW * cpw * CH
    npad = -(-(n + 1) // (NT * CH)) * NT * CH

    src = edge_index[0]
    dst = edge_index[1]
    pad = ep - e
    ar = jnp.arange(pad, dtype=jnp.int32)
    srcp = jnp.concatenate(
        [src, ar % jnp.int32(n)]).reshape(NW, cpw, CH)
    dstp = jnp.concatenate(
        [dst, n + ar % jnp.int32(npad - n)]).reshape(NW, cpw, CH)
    b1r = b1.reshape(1, -1)
    b2r = b2.reshape(1, -1)
    bcr = bc.reshape(1, -1)

    degp = _deg_call(dstp, npad, cpw)

    rb = 1000
    grid = (n // rb,)
    deg_spec = pl.BlockSpec((2, rb, 16), lambda i: (0, i, 0))
    row_spec = pl.BlockSpec((rb, f), lambda i: (i, 0))
    sp_spec = pl.BlockSpec((2, rb, f), lambda i: (0, i, 0))
    w_spec = pl.BlockSpec((f, f), lambda i: (0, 0))
    b_spec = pl.BlockSpec((1, f), lambda i: (0, 0))

    hp1 = pl.pallas_call(
        _tc1_body,
        grid=grid,
        in_specs=[row_spec, w_spec, deg_spec],
        out_specs=row_spec,
        out_shape=jax.ShapeDtypeStruct((n, f), jnp.float32),
    )(x, W1, degp)

    s1 = _scatter_call(hp1, srcp, dstp, npad, cpw)

    hp2 = pl.pallas_call(
        _tc2_body,
        grid=grid,
        in_specs=[sp_spec, row_spec, deg_spec, b_spec, w_spec],
        out_specs=row_spec,
        out_shape=jax.ShapeDtypeStruct((n, f), jnp.float32),
    )(s1, hp1, degp, b1r, W2)

    s2 = _scatter_call(hp2, srcp, dstp, npad, cpw)

    logits, h_out = pl.pallas_call(
        _tc3_body,
        grid=grid,
        in_specs=[sp_spec, row_spec, deg_spec, b_spec,
                  pl.BlockSpec((f, n_cls), lambda i: (0, 0)),
                  pl.BlockSpec((1, n_cls), lambda i: (0, 0))],
        out_specs=[pl.BlockSpec((rb, n_cls), lambda i: (i, 0)), row_spec],
        out_shape=[jax.ShapeDtypeStruct((n, n_cls), jnp.float32),
                   jax.ShapeDtypeStruct((n, f), jnp.float32)],
    )(s2, hp2, degp, b2r, Wc, bcr)

    return (logits, h_out)

# --- scband reference (transcript-rebuilt; emitter-appended) ---
"""Pipeline reference for scband-gcn-26499948216429 (READ-ONLY COPY).

The authoritative reference and input builder live on the scoring server;
editing this copy changes nothing except your own understanding.
"""

import jax, jax.numpy as jnp
import numpy as np

N_NODES = 10000
N_EDGES = 320000
F_IN = 128
HID = 128
N_CLS = 40


def setup_inputs(seed: int = 0) -> dict:
    key = jax.random.key(seed)
    ks = jax.random.split(key, 8)
    x = jax.random.normal(ks[0], (N_NODES, F_IN), dtype=jnp.float32)
    edge_index = jax.random.randint(ks[1], (2, N_EDGES), 0, N_NODES, dtype=jnp.int32)
    W1 = jax.random.normal(ks[2], (F_IN, HID), dtype=jnp.float32) * (1.0 / np.sqrt(F_IN))
    b1 = jnp.zeros((HID,), dtype=jnp.float32)
    W2 = jax.random.normal(ks[3], (HID, HID), dtype=jnp.float32) * (1.0 / np.sqrt(HID))
    b2 = jnp.zeros((HID,), dtype=jnp.float32)
    Wc = jax.random.normal(ks[4], (HID, N_CLS), dtype=jnp.float32) * (1.0 / np.sqrt(HID))
    bc = jnp.zeros((N_CLS,), dtype=jnp.float32)
    return {"x": x, "edge_index": edge_index, "W1": W1, "b1": b1, "W2": W2, "b2": b2, "Wc": Wc, "bc": bc}


def gcn_conv(x, edge_index, W, b):
    # PyG-style GCNConv: linear transform, add self-loops, sym-normalize, scatter-add aggregate
    num_nodes = x.shape[0]
    h = x @ W
    src = edge_index[0]
    dst = edge_index[1]
    loop = jnp.arange(num_nodes, dtype=src.dtype)
    src = jnp.concatenate([src, loop])
    dst = jnp.concatenate([dst, loop])
    deg = jnp.zeros((num_nodes,), dtype=h.dtype).at[dst].add(1.0)
    dinv = jnp.where(deg > 0, 1.0 / jnp.sqrt(deg), 0.0)
    norm = dinv[src] * dinv[dst]
    msg = h[src] * norm[:, None]
    out = jnp.zeros_like(h).at[dst].add(msg)
    return out + b


def reference(x, edge_index, W1, b1, W2, b2, Wc, bc):
    h = jnp.tanh(gcn_conv(x, edge_index, W1, b1))
    h = jnp.tanh(gcn_conv(h, edge_index, W2, b2))
    out = h @ Wc + bc
    return (out, h)

if __name__ == "__main__":
    import jax
    _d = setup_inputs()
    print(jax.jit(kernel)(*tuple(_d.values())))

</pallas_src>

<mosaic_0001>
#map = affine_map<(d0, d1) -> (0, 0, 0)>
module attributes {stable_mosaic.version = 14 : i64} {
  func.func @deg_k(%arg0: i32, %arg1: i32, %arg2: memref<32x80x128xi32, #tpu.memory_space<hbm>>, %arg3: memref<2x10240x16xf32, #tpu.memory_space<hbm>>, %arg4: memref<80x128xi32, #tpu.memory_space<vmem>>, %arg5: memref<128x16xf32, #tpu.memory_space<vmem>>, %arg6: memref<10240x16xf32, #tpu.memory_space<vmem_shared>>) attributes {dimension_semantics = [#tpu.dimension_semantics<core_parallel>, #tpu.dimension_semantics<subcore_parallel>], iteration_bounds = array<i64: 2, 16>, scalar_prefetch = 0 : i64, scratch_operands = 3 : i64, tpu.core_type = #tpu.core_type<sc_vector_subcore>, window_params = [{transform_indices = #map}, {transform_indices = #map}]} {
    %mul3A = arith.constant 16 : i32
    %mul3A_0 = arith.muli %arg0, %mul3A : i32
    %add3A = arith.addi %mul3A_0, %arg1 : i32
    %scan3A = arith.constant 0 : i32
    %scan3A_1 = arith.constant 0 : i32
    %scan3A_2 = arith.constant 128 : i32
    %scan3A_3 = arith.addi %scan3A_1, %scan3A_2 : i32
    %scan3A_4 = arith.constant 1 : i32
    %scan3A_5 = scf.for %scan3A_33 = %scan3A_1 to %scan3A_3 step %scan3A_4 iter_args(%scan3A_34 = %scan3A) -> (i32)  : i32 {
      %jit3A = arith.constant 1 : i32
      %div3A = arith.divsi %scan3A_33, %jit3A : i32
      %sign3A = arith.constant 0 : i32
      %sign3A_35 = arith.cmpi sgt, %scan3A_33, %sign3A : i32
      %sign3A_36 = arith.extui %sign3A_35 : i1 to i32
      %sign3A_37 = arith.constant 0 : i32
      %sign3A_38 = arith.cmpi slt, %scan3A_33, %sign3A_37 : i32
      %sign3A_39 = arith.extui %sign3A_38 : i1 to i32
      %sign3A_40 = arith.subi %sign3A_36, %sign3A_39 : i32
      %sign3A_41 = arith.constant 0 : i32
      %sign3A_42 = arith.cmpi sgt, %jit3A, %sign3A_41 : i32
      %sign3A_43 = arith.extui %sign3A_42 : i1 to i32
      %sign3A_44 = arith.constant 0 : i32
      %sign3A_45 = arith.cmpi slt, %jit3A, %sign3A_44 : i32
      %sign3A_46 = arith.extui %sign3A_45 : i1 to i32
      %sign3A_47 = arith.subi %sign3A_43, %sign3A_46 : i32
      %ne3A = arith.cmpi ne, %sign3A_40, %sign3A_47 : i32
      %rem3A = arith.remsi %scan3A_33, %jit3A : i32
      %ne3A_48 = arith.constant 0 : i32
      %ne3A_49 = arith.cmpi ne, %rem3A, %ne3A_48 : i32
      %and3A = arith.andi %ne3A, %ne3A_49 : i1
      %sub3A = arith.constant 1 : i32
      %sub3A_50 = arith.subi %div3A, %sub3A : i32
      %select_n3A = arith.select %and3A, %sub3A_50, %div3A : i32
      %jit3A_51 = arith.constant 1 : i32
      %eq3A = arith.constant 0 : i32
      %eq3A_52 = arith.cmpi eq, %jit3A_51, %eq3A : i32
      %jit3A_53 = arith.constant 1 : i32
      %select_n3A_54 = arith.select %eq3A_52, %jit3A_53, %jit3A_51 : i32
      %rem3A_55 = arith.remsi %scan3A_33, %select_n3A_54 : i32
      %ne3A_56 = arith.constant 0 : i32
      %ne3A_57 = arith.cmpi ne, %rem3A_55, %ne3A_56 : i32
      %lt3A = arith.constant 0 : i32
      %lt3A_58 = arith.cmpi slt, %rem3A_55, %lt3A : i32
      %lt3A_59 = arith.constant 0 : i32
      %lt3A_60 = arith.cmpi slt, %select_n3A_54, %lt3A_59 : i32
      %ne3A_61 = arith.xori %lt3A_58, %lt3A_60 : i1
      %and3A_62 = arith.andi %ne3A_61, %ne3A_57 : i1
      %add3A_63 = arith.addi %rem3A_55, %select_n3A_54 : i32
      %select_n3A_64 = arith.select %and3A_62, %add3A_63, %rem3A_55 : i32
      %broadcast_in_dim3A = arith.constant 0.000000e+00 : f32
      %broadcast_in_dim3A_65 = vector.broadcast %broadcast_in_dim3A : f32 to vector<16xf32>
      %mul3A_66 = arith.constant 16 : i32
      %mul3A_67 = arith.muli %select_n3A_64, %mul3A_66 : i32
      %swap3A = arith.index_cast %select_n3A : i32 to index
      %swap3A_68 = arith.index_cast %mul3A_67 : i32 to index
      %swap3A_69 = tpu.vector_load %arg5[%swap3A, %swap3A_68] {strides = array<i32>} : memref<128x16xf32, #tpu.memory_space<vmem>>, vector<1x16xf32>,
      %swap3A_70 = vector.shape_cast %swap3A_69 : vector<1x16xf32> to vector<16xf32>
      %swap3A_71 = vector.shape_cast %broadcast_in_dim3A_65 : vector<16xf32> to vector<1x16xf32>
      tpu.vector_store %arg5[%swap3A, %swap3A_68], %swap3A_71 {strides = array<i32>} : memref<128x16xf32, #tpu.memory_space<vmem>>, vector<1x16xf32>,
      %scan3A_72 = arith.constant 0 : i32
      scf.yield %scan3A_72 : i32
    }
    %scan3A_6 = arith.constant 128 : i32
    %scan3A_7 = arith.constant 0 : i32
    %scan3A_8 = arith.constant 0 : i32
    %scan3A_9 = arith.constant 5 : i32
    %scan3A_10 = arith.addi %scan3A_8, %scan3A_9 : i32
    %scan3A_11 = arith.constant 1 : i32
    %scan3A_12 = scf.for %scan3A_33 = %scan3A_8 to %scan3A_10 step %scan3A_11 iter_args(%scan3A_34 = %scan3A_7) -> (i32)  : i32 {
      %mul3A_35 = arith.constant 640 : i32
      %mul3A_36 = arith.muli %arg1, %mul3A_35 : i32
      %mul3A_37 = arith.constant 128 : i32
      %mul3A_38 = arith.muli %scan3A_33, %mul3A_37 : i32
      %add3A_39 = arith.addi %mul3A_36, %mul3A_38 : i32
      "tpu.region"() ({
        %run_scoped3A = tpu.sem_alloc : memref<!tpu.dma_semaphore, #tpu.memory_space<semaphore_mem>>
        %dma_start3A = arith.constant 0 : i32
        %dma_start3A_41 = tpu.memref_slice %arg6[%add3A_39, %dma_start3A] : memref<10240x16xf32, #tpu.memory_space<vmem_shared>> -> memref<128x16xf32, #tpu.memory_space<vmem_shared>>
        %dma_start3A_42 = arith.constant 0 : i32
        %dma_start3A_43 = tpu.memref_slice %arg6[%add3A_39, %dma_start3A_42] : memref<10240x16xf32, #tpu.memory_space<vmem_shared>> -> memref<128x16xf32, #tpu.memory_space<vmem_shared>>
        tpu.enqueue_dma source(%arg5 : memref<128x16xf32, #tpu.memory_space<vmem>>) target(%dma_start3A_43 : memref<128x16xf32, #tpu.memory_space<vmem_shared>>) target_semaphore(%run_scoped3A : memref<!tpu.dma_semaphore, #tpu.memory_space<semaphore_mem>>)
        %dma_wait3A = arith.constant 0 : i32
        %dma_wait3A_44 = tpu.memref_slice %arg6[%add3A_39, %dma_wait3A] : memref<10240x16xf32, #tpu.memory_space<vmem_shared>> -> memref<128x16xf32, #tpu.memory_space<vmem_shared>>
        %dma_wait3A_45 = arith.constant 0 : i32
        %dma_wait3A_46 = tpu.memref_slice %arg6[%add3A_39, %dma_wait3A_45] : memref<10240x16xf32, #tpu.memory_space<vmem_shared>> -> memref<128x16xf32, #tpu.memory_space<vmem_shared>>
        tpu.wait_dma2 semaphore(%run_scoped3A : memref<!tpu.dma_semaphore, #tpu.memory_space<semaphore_mem>>) src(%arg5 : memref<128x16xf32, #tpu.memory_space<vmem>>) dst(%dma_wait3A_46 : memref<128x16xf32, #tpu.memory_space<vmem_shared>>)
        tpu.yield
      }) : () -> ()
      %scan3A_40 = arith.constant 0 : i32
      scf.yield %scan3A_40 : i32
    }
    %scan3A_13 = arith.constant 5 : i32
    %scan3A_14 = arith.constant 0 : i32
    %scan3A_15 = arith.constant 0 : i32
    %scan3A_16 = arith.constant 128 : i32
    %scan3A_17 = arith.addi %scan3A_15, %scan3A_16 : i32
    %scan3A_18 = arith.constant 1 : i32
    %scan3A_19 = scf.for %scan3A_33 = %scan3A_15 to %scan3A_17 step %scan3A_18 iter_args(%scan3A_34 = %scan3A_14) -> (i32)  : i32 {
      %broadcast_in_dim3A = arith.constant 1.000000e+00 : f32
      %broadcast_in_dim3A_35 = vector.broadcast %broadcast_in_dim3A : f32 to vector<16xf32>
      %swap3A = arith.index_cast %scan3A_33 : i32 to index
      %swap3A_36 = arith.constant 0 : index
      %swap3A_37 = tpu.vector_load %arg5[%swap3A, %swap3A_36] {strides = array<i32>} : memref<128x16xf32, #tpu.memory_space<vmem>>, vector<1x16xf32>,
      %swap3A_38 = vector.shape_cast %swap3A_37 : vector<1x16xf32> to vector<16xf32>
      %swap3A_39 = vector.shape_cast %broadcast_in_dim3A_35 : vector<16xf32> to vector<1x16xf32>
      tpu.vector_store %arg5[%swap3A, %swap3A_36], %swap3A_39 {strides = array<i32>} : memref<128x16xf32, #tpu.memory_space<vmem>>, vector<1x16xf32>,
      %scan3A_40 = arith.constant 0 : i32
      scf.yield %scan3A_40 : i32
    }
    %scan3A_20 = arith.constant 128 : i32
    %barrier3A = arith.constant 0 : index
    tpu.barrier barrier_id(%barrier3A)
    "tpu.region"() ({
      %run_scoped3A = tpu.sem_alloc : memref<!tpu.dma_semaphore, #tpu.memory_space<semaphore_mem>>
      %dma_start3A = arith.constant 0 : i32
      %dma_start3A_33 = arith.constant 0 : i32
      %dma_start3A_34 = tpu.memref_slice %arg2[%add3A, %dma_start3A, %dma_start3A_33] : memref<32x80x128xi32, #tpu.memory_space<hbm>> -> memref<1x80x128xi32, #tpu.memory_space<hbm>>
      %dma_start3A_35 = tpu.memref_squeeze %dma_start3A_34 : memref<1x80x128xi32, #tpu.memory_space<hbm>> -> memref<80x128xi32, #tpu.memory_space<hbm>>
      %dma_start3A_36 = arith.constant 0 : i32
      %dma_start3A_37 = arith.constant 0 : i32
      %dma_start3A_38 = tpu.memref_slice %arg2[%add3A, %dma_start3A_36, %dma_start3A_37] : memref<32x80x128xi32, #tpu.memory_space<hbm>> -> memref<1x80x128xi32, #tpu.memory_space<hbm>>
      %dma_start3A_39 = tpu.memref_squeeze %dma_start3A_38 : memref<1x80x128xi32, #tpu.memory_space<hbm>> -> memref<80x128xi32, #tpu.memory_space<hbm>>
      tpu.enqueue_dma source(%dma_start3A_39 : memref<80x128xi32, #tpu.memory_space<hbm>>) target(%arg4 : memref<80x128xi32, #tpu.memory_space<vmem>>) target_semaphore(%run_scoped3A : memref<!tpu.dma_semaphore, #tpu.memory_space<semaphore_mem>>)
      %dma_wait3A = arith.constant 0 : i32
      %dma_wait3A_40 = arith.constant 0 : i32
      %dma_wait3A_41 = tpu.memref_slice %arg2[%add3A, %dma_wait3A, %dma_wait3A_40] : memref<32x80x128xi32, #tpu.memory_space<hbm>> -> memref<1x80x128xi32, #tpu.memory_space<hbm>>
      %dma_wait3A_42 = tpu.memref_squeeze %dma_wait3A_41 : memref<1x80x128xi32, #tpu.memory_space<hbm>> -> memref<80x128xi32, #tpu.memory_space<hbm>>
      %dma_wait3A_43 = arith.constant 0 : i32
      %dma_wait3A_44 = arith.constant 0 : i32
      %dma_wait3A_45 = tpu.memref_slice %arg2[%add3A, %dma_wait3A_43, %dma_wait3A_44] : memref<32x80x128xi32, #tpu.memory_space<hbm>> -> memref<1x80x128xi32, #tpu.memory_space<hbm>>
      %dma_wait3A_46 = tpu.memref_squeeze %dma_wait3A_45 : memref<1x80x128xi32, #tpu.memory_space<hbm>> -> memref<80x128xi32, #tpu.memory_space<hbm>>
      tpu.wait_dma2 semaphore(%run_scoped3A : memref<!tpu.dma_semaphore, #tpu.memory_space<semaphore_mem>>) src(%dma_wait3A_46 : memref<80x128xi32, #tpu.memory_space<hbm>>) dst(%arg4 : memref<80x128xi32, #tpu.memory_space<vmem>>)
      tpu.yield
    }) : () -> ()
    %scan3A_21 = arith.constant 0 : i32
    %scan3A_22 = arith.constant 0 : i32
    %scan3A_23 = arith.constant 80 : i32
    %scan3A_24 = arith.addi %scan3A_22, %scan3A_23 : i32
    %scan3A_25 = arith.constant 1 : i32
    %scan3A_26 = scf.for %scan3A_33 = %scan3A_22 to %scan3A_24 step %scan3A_25 iter_args(%scan3A_34 = %scan3A_21) -> (i32)  : i32 {
      "tpu.region"() ({
        %run_scoped3A = tpu.sem_alloc : memref<!tpu.dma_semaphore, #tpu.memory_space<semaphore_mem>>
        %dma_start3A = arith.constant 0 : i32
        %dma_start3A_36 = tpu.memref_slice %arg4[%scan3A_33, %dma_start3A] : memref<80x128xi32, #tpu.memory_space<vmem>> -> memref<1x128xi32, #tpu.memory_space<vmem>>
        %dma_start3A_37 = tpu.memref_squeeze %dma_start3A_36 : memref<1x128xi32, #tpu.memory_space<vmem>> -> memref<128xi32, #tpu.memory_space<vmem>>
        %dma_start3A_38 = arith.constant 0 : i32
        %dma_start3A_39 = arith.constant 0 : i32
        %dma_start3A_40 = tpu.memref_slice %arg6[%dma_start3A_38, %dma_start3A_39] : memref<10240x16xf32, #tpu.memory_space<vmem_shared>> -> memref<10240x16xf32, #tpu.memory_space<vmem_shared>>
        tpu.enqueue_indirect_dma source(%arg5 : memref<128x16xf32, #tpu.memory_space<vmem>>) target(%dma_start3A_40 : memref<10240x16xf32, #tpu.memory_space<vmem_shared>>) offsets(%dma_start3A_37 : memref<128xi32, #tpu.memory_space<vmem>>) semaphore(%run_scoped3A : memref<!tpu.dma_semaphore, #tpu.memory_space<semaphore_mem>>) {add = true}
        %dma_wait3A = arith.constant 0 : i32
        %dma_wait3A_41 = tpu.memref_slice %arg4[%scan3A_33, %dma_wait3A] : memref<80x128xi32, #tpu.memory_space<vmem>> -> memref<1x128xi32, #tpu.memory_space<vmem>>
        %dma_wait3A_42 = tpu.memref_squeeze %dma_wait3A_41 : memref<1x128xi32, #tpu.memory_space<vmem>> -> memref<128xi32, #tpu.memory_space<vmem>>
        %dma_wait3A_43 = arith.constant 0 : i32
        %dma_wait3A_44 = arith.constant 0 : i32
        %dma_wait3A_45 = tpu.memref_slice %arg6[%dma_wait3A_43, %dma_wait3A_44] : memref<10240x16xf32, #tpu.memory_space<vmem_shared>> -> memref<10240x16xf32, #tpu.memory_space<vmem_shared>>
        tpu.wait_indirect_dma semaphore(%run_scoped3A : memref<!tpu.dma_semaphore, #tpu.memory_space<semaphore_mem>>) src(%arg5 : memref<128x16xf32, #tpu.memory_space<vmem>>) dst(%dma_wait3A_45 : memref<10240x16xf32, #tpu.memory_space<vmem_shared>>)
        tpu.yield
      }) : () -> ()
      %scan3A_35 = arith.constant 0 : i32
      scf.yield %scan3A_35 : i32
    }
    %scan3A_27 = arith.constant 80 : i32
    %barrier3A_28 = arith.constant 0 : index
    tpu.barrier barrier_id(%barrier3A_28)
    %mul3A_29 = arith.constant 640 : i32
    %mul3A_30 = arith.muli %arg1, %mul3A_29 : i32
    %mul3A_31 = arith.constant 640 : i32
    %mul3A_32 = arith.muli %arg1, %mul3A_31 : i32
    "tpu.region"() ({
      %run_scoped3A = tpu.sem_alloc : memref<!tpu.dma_semaphore, #tpu.memory_space<semaphore_mem>>
      %dma_start3A = arith.constant 0 : i32
      %dma_start3A_33 = arith.constant 0 : i32
      %dma_start3A_34 = tpu.memref_slice %arg3[%arg0, %dma_start3A, %dma_start3A_33] : memref<2x10240x16xf32, #tpu.memory_space<hbm>> -> memref<1x10240x16xf32, #tpu.memory_space<hbm>>
      %dma_start3A_35 = tpu.memref_squeeze %dma_start3A_34 : memref<1x10240x16xf32, #tpu.memory_space<hbm>> -> memref<10240x16xf32, #tpu.memory_space<hbm>>
      %dma_start3A_36 = arith.constant 0 : i32
      %dma_start3A_37 = tpu.memref_slice %dma_start3A_35[%mul3A_32, %dma_start3A_36] : memref<10240x16xf32, #tpu.memory_space<hbm>> -> memref<640x16xf32, #tpu.memory_space<hbm>>
      %dma_start3A_38 = arith.constant 0 : i32
      %dma_start3A_39 = tpu.memref_slice %arg6[%mul3A_30, %dma_start3A_38] : memref<10240x16xf32, #tpu.memory_space<vmem_shared>> -> memref<640x16xf32, #tpu.memory_space<vmem_shared>>
      tpu.enqueue_dma source(%dma_start3A_39 : memref<640x16xf32, #tpu.memory_space<vmem_shared>>) target(%dma_start3A_37 : memref<640x16xf32, #tpu.memory_space<hbm>>) target_semaphore(%run_scoped3A : memref<!tpu.dma_semaphore, #tpu.memory_space<semaphore_mem>>)
      %dma_wait3A = arith.constant 0 : i32
      %dma_wait3A_40 = arith.constant 0 : i32
      %dma_wait3A_41 = tpu.memref_slice %arg3[%arg0, %dma_wait3A, %dma_wait3A_40] : memref<2x10240x16xf32, #tpu.memory_space<hbm>> -> memref<1x10240x16xf32, #tpu.memory_space<hbm>>
      %dma_wait3A_42 = tpu.memref_squeeze %dma_wait3A_41 : memref<1x10240x16xf32, #tpu.memory_space<hbm>> -> memref<10240x16xf32, #tpu.memory_space<hbm>>
      %dma_wait3A_43 = arith.constant 0 : i32
      %dma_wait3A_44 = tpu.memref_slice %dma_wait3A_42[%mul3A_32, %dma_wait3A_43] : memref<10240x16xf32, #tpu.memory_space<hbm>> -> memref<640x16xf32, #tpu.memory_space<hbm>>
      %dma_wait3A_45 = arith.constant 0 : i32
      %dma_wait3A_46 = tpu.memref_slice %arg6[%mul3A_30, %dma_wait3A_45] : memref<10240x16xf32, #tpu.memory_space<vmem_shared>> -> memref<640x16xf32, #tpu.memory_space<vmem_shared>>
      tpu.wait_dma2 semaphore(%run_scoped3A : memref<!tpu.dma_semaphore, #tpu.memory_space<semaphore_mem>>) src(%dma_wait3A_46 : memref<640x16xf32, #tpu.memory_space<vmem_shared>>) dst(%dma_wait3A_44 : memref<640x16xf32, #tpu.memory_space<hbm>>)
      tpu.yield
    }) : () -> ()
    return
  }
}

#map = affine_map<(d0, d1) -> (0, 0)>
#map1 = affine_map<(d0, d1) -> (0, 0, 0)>
module attributes {stable_mosaic.version = 14 : i64} {
  func.func @scat_k(%arg0: i32, %arg1: i32, %arg2: memref<10000x128xf32, #tpu.memory_space<hbm>>, %arg3: memref<32x80x128xi32, #tpu.memory_space<hbm>>, %arg4: memref<32x80x128xi32, #tpu.memory_space<hbm>>, %arg5: memref<2x10240x128xf32, #tpu.memory_space<hbm>>, %arg6: memref<80x128xi32, #tpu.memory_space<vmem>>, %arg7: memref<80x128xi32, #tpu.memory_space<vmem>>, %arg8: memref<128x128xf32, #tpu.memory_space<vmem>>, %arg9: memref<10240x128xf32, #tpu.memory_space<vmem_shared>>, %arg10: memref<!tpu.dma_semaphore, #tpu.memory_space<semaphore_mem>>) attributes {dimension_semantics = [#tpu.dimension_semantics<core_parallel>, #tpu.dimension_semantics<subcore_parallel>], iteration_bounds = array<i64: 2, 16>, scalar_prefetch = 0 : i64, scratch_operands = 5 : i64, tpu.core_type = #tpu.core_type<sc_vector_subcore>, window_params = [{transform_indices = #map}, {transform_indices = #map1}, {transform_indices = #map1}, {transform_indices = #map1}]} {
    %mul3A = arith.constant 16 : i32
    %mul3A_0 = arith.muli %arg0, %mul3A : i32
    %add3A = arith.addi %mul3A_0, %arg1 : i32
    %scan3A = arith.constant 0 : i32
    %scan3A_1 = arith.constant 0 : i32
    %scan3A_2 = arith.constant 1024 : i32
    %scan3A_3 = arith.addi %scan3A_1, %scan3A_2 : i32
    %scan3A_4 = arith.constant 1 : i32
    %scan3A_5 = scf.for %scan3A_26 = %scan3A_1 to %scan3A_3 step %scan3A_4 iter_args(%scan3A_27 = %scan3A) -> (i32)  : i32 {
      %jit3A = arith.constant 8 : i32
      %div3A = arith.divsi %scan3A_26, %jit3A : i32
      %sign3A = arith.constant 0 : i32
      %sign3A_28 = arith.cmpi sgt, %scan3A_26, %sign3A : i32
      %sign3A_29 = arith.extui %sign3A_28 : i1 to i32
      %sign3A_30 = arith.constant 0 : i32
      %sign3A_31 = arith.cmpi slt, %scan3A_26, %sign3A_30 : i32
      %sign3A_32 = arith.extui %sign3A_31 : i1 to i32
      %sign3A_33 = arith.subi %sign3A_29, %sign3A_32 : i32
      %sign3A_34 = arith.constant 0 : i32
      %sign3A_35 = arith.cmpi sgt, %jit3A, %sign3A_34 : i32
      %sign3A_36 = arith.extui %sign3A_35 : i1 to i32
      %sign3A_37 = arith.constant 0 : i32
      %sign3A_38 = arith.cmpi slt, %jit3A, %sign3A_37 : i32
      %sign3A_39 = arith.extui %sign3A_38 : i1 to i32
      %sign3A_40 = arith.subi %sign3A_36, %sign3A_39 : i32
      %ne3A = arith.cmpi ne, %sign3A_33, %sign3A_40 : i32
      %rem3A = arith.remsi %scan3A_26, %jit3A : i32
      %ne3A_41 = arith.constant 0 : i32
      %ne3A_42 = arith.cmpi ne, %rem3A, %ne3A_41 : i32
      %and3A = arith.andi %ne3A, %ne3A_42 : i1
      %sub3A = arith.constant 1 : i32
      %sub3A_43 = arith.subi %div3A, %sub3A : i32
      %select_n3A = arith.select %and3A, %sub3A_43, %div3A : i32
      %jit3A_44 = arith.constant 8 : i32
      %eq3A = arith.constant 0 : i32
      %eq3A_45 = arith.cmpi eq, %jit3A_44, %eq3A : i32
      %jit3A_46 = arith.constant 1 : i32
      %select_n3A_47 = arith.select %eq3A_45, %jit3A_46, %jit3A_44 : i32
      %rem3A_48 = arith.remsi %scan3A_26, %select_n3A_47 : i32
      %ne3A_49 = arith.constant 0 : i32
      %ne3A_50 = arith.cmpi ne, %rem3A_48, %ne3A_49 : i32
      %lt3A = arith.constant 0 : i32
      %lt3A_51 = arith.cmpi slt, %rem3A_48, %lt3A : i32
      %lt3A_52 = arith.constant 0 : i32
      %lt3A_53 = arith.cmpi slt, %select_n3A_47, %lt3A_52 : i32
      %ne3A_54 = arith.xori %lt3A_51, %lt3A_53 : i1
      %and3A_55 = arith.andi %ne3A_54, %ne3A_50 : i1
      %add3A_56 = arith.addi %rem3A_48, %select_n3A_47 : i32
      %select_n3A_57 = arith.select %and3A_55, %add3A_56, %rem3A_48 : i32
      %broadcast_in_dim3A = arith.constant 0.000000e+00 : f32
      %broadcast_in_dim3A_58 = vector.broadcast %broadcast_in_dim3A : f32 to vector<16xf32>
      %mul3A_59 = arith.constant 16 : i32
      %mul3A_60 = arith.muli %select_n3A_57, %mul3A_59 : i32
      %swap3A = arith.index_cast %select_n3A : i32 to index
      %swap3A_61 = arith.index_cast %mul3A_60 : i32 to index
      %swap3A_62 = tpu.vector_load %arg8[%swap3A, %swap3A_61] {strides = array<i32>} : memref<128x128xf32, #tpu.memory_space<vmem>>, vector<1x16xf32>,
      %swap3A_63 = vector.shape_cast %swap3A_62 : vector<1x16xf32> to vector<16xf32>
      %swap3A_64 = vector.shape_cast %broadcast_in_dim3A_58 : vector<16xf32> to vector<1x16xf32>
      tpu.vector_store %arg8[%swap3A, %swap3A_61], %swap3A_64 {strides = array<i32>} : memref<128x128xf32, #tpu.memory_space<vmem>>, vector<1x16xf32>,
      %scan3A_65 = arith.constant 0 : i32
      scf.yield %scan3A_65 : i32
    }
    %scan3A_6 = arith.constant 1024 : i32
    %scan3A_7 = arith.constant 0 : i32
    %scan3A_8 = arith.constant 0 : i32
    %scan3A_9 = arith.constant 5 : i32
    %scan3A_10 = arith.addi %scan3A_8, %scan3A_9 : i32
    %scan3A_11 = arith.constant 1 : i32
    %scan3A_12 = scf.for %scan3A_26 = %scan3A_8 to %scan3A_10 step %scan3A_11 iter_args(%scan3A_27 = %scan3A_7) -> (i32)  : i32 {
      %mul3A_28 = arith.constant 640 : i32
      %mul3A_29 = arith.muli %arg1, %mul3A_28 : i32
      %mul3A_30 = arith.constant 128 : i32
      %mul3A_31 = arith.muli %scan3A_26, %mul3A_30 : i32
      %add3A_32 = arith.addi %mul3A_29, %mul3A_31 : i32
      "tpu.region"() ({
        %run_scoped3A = tpu.sem_alloc : memref<!tpu.dma_semaphore, #tpu.memory_space<semaphore_mem>>
        %dma_start3A = arith.constant 0 : i32
        %dma_start3A_34 = tpu.memref_slice %arg9[%add3A_32, %dma_start3A] : memref<10240x128xf32, #tpu.memory_space<vmem_shared>> -> memref<128x128xf32, #tpu.memory_space<vmem_shared>>
        %dma_start3A_35 = arith.constant 0 : i32
        %dma_start3A_36 = tpu.memref_slice %arg9[%add3A_32, %dma_start3A_35] : memref<10240x128xf32, #tpu.memory_space<vmem_shared>> -> memref<128x128xf32, #tpu.memory_space<vmem_shared>>
        tpu.enqueue_dma source(%arg8 : memref<128x128xf32, #tpu.memory_space<vmem>>) target(%dma_start3A_36 : memref<128x128xf32, #tpu.memory_space<vmem_shared>>) target_semaphore(%run_scoped3A : memref<!tpu.dma_semaphore, #tpu.memory_space<semaphore_mem>>)
        %dma_wait3A = arith.constant 0 : i32
        %dma_wait3A_37 = tpu.memref_slice %arg9[%add3A_32, %dma_wait3A] : memref<10240x128xf32, #tpu.memory_space<vmem_shared>> -> memref<128x128xf32, #tpu.memory_space<vmem_shared>>
        %dma_wait3A_38 = arith.constant 0 : i32
        %dma_wait3A_39 = tpu.memref_slice %arg9[%add3A_32, %dma_wait3A_38] : memref<10240x128xf32, #tpu.memory_space<vmem_shared>> -> memref<128x128xf32, #tpu.memory_space<vmem_shared>>
        tpu.wait_dma2 semaphore(%run_scoped3A : memref<!tpu.dma_semaphore, #tpu.memory_space<semaphore_mem>>) src(%arg8 : memref<128x128xf32, #tpu.memory_space<vmem>>) dst(%dma_wait3A_39 : memref<128x128xf32, #tpu.memory_space<vmem_shared>>)
        tpu.yield
      }) : () -> ()
      %scan3A_33 = arith.constant 0 : i32
      scf.yield %scan3A_33 : i32
    }
    %scan3A_13 = arith.constant 5 : i32
    "tpu.region"() ({
      %run_scoped3A = tpu.sem_alloc : memref<!tpu.dma_semaphore, #tpu.memory_space<semaphore_mem>>
      %dma_start3A = arith.constant 0 : i32
      %dma_start3A_26 = arith.constant 0 : i32
      %dma_start3A_27 = tpu.memref_slice %arg3[%add3A, %dma_start3A, %dma_start3A_26] : memref<32x80x128xi32, #tpu.memory_space<hbm>> -> memref<1x80x128xi32, #tpu.memory_space<hbm>>
      %dma_start3A_28 = tpu.memref_squeeze %dma_start3A_27 : memref<1x80x128xi32, #tpu.memory_space<hbm>> -> memref<80x128xi32, #tpu.memory_space<hbm>>
      %dma_start3A_29 = arith.constant 0 : i32
      %dma_start3A_30 = arith.constant 0 : i32
      %dma_start3A_31 = tpu.memref_slice %arg3[%add3A, %dma_start3A_29, %dma_start3A_30] : memref<32x80x128xi32, #tpu.memory_space<hbm>> -> memref<1x80x128xi32, #tpu.memory_space<hbm>>
      %dma_start3A_32 = tpu.memref_squeeze %dma_start3A_31 : memref<1x80x128xi32, #tpu.memory_space<hbm>> -> memref<80x128xi32, #tpu.memory_space<hbm>>
      tpu.enqueue_dma source(%dma_start3A_32 : memref<80x128xi32, #tpu.memory_space<hbm>>) target(%arg6 : memref<80x128xi32, #tpu.memory_space<vmem>>) target_semaphore(%run_scoped3A : memref<!tpu.dma_semaphore, #tpu.memory_space<semaphore_mem>>)
      %dma_wait3A = arith.constant 0 : i32
      %dma_wait3A_33 = arith.constant 0 : i32
      %dma_wait3A_34 = tpu.memref_slice %arg3[%add3A, %dma_wait3A, %dma_wait3A_33] : memref<32x80x128xi32, #tpu.memory_space<hbm>> -> memref<1x80x128xi32, #tpu.memory_space<hbm>>
      %dma_wait3A_35 = tpu.memref_squeeze %dma_wait3A_34 : memref<1x80x128xi32, #tpu.memory_space<hbm>> -> memref<80x128xi32, #tpu.memory_space<hbm>>
      %dma_wait3A_36 = arith.constant 0 : i32
      %dma_wait3A_37 = arith.constant 0 : i32
      %dma_wait3A_38 = tpu.memref_slice %arg3[%add3A, %dma_wait3A_36, %dma_wait3A_37] : memref<32x80x128xi32, #tpu.memory_space<hbm>> -> memref<1x80x128xi32, #tpu.memory_space<hbm>>
      %dma_wait3A_39 = tpu.memref_squeeze %dma_wait3A_38 : memref<1x80x128xi32, #tpu.memory_space<hbm>> -> memref<80x128xi32, #tpu.memory_space<hbm>>
      tpu.wait_dma2 semaphore(%run_scoped3A : memref<!tpu.dma_semaphore, #tpu.memory_space<semaphore_mem>>) src(%dma_wait3A_39 : memref<80x128xi32, #tpu.memory_space<hbm>>) dst(%arg6 : memref<80x128xi32, #tpu.memory_space<vmem>>)
      tpu.yield
    }) : () -> ()
    "tpu.region"() ({
      %run_scoped3A = tpu.sem_alloc : memref<!tpu.dma_semaphore, #tpu.memory_space<semaphore_mem>>
      %dma_start3A = arith.constant 0 : i32
      %dma_start3A_26 = arith.constant 0 : i32
      %dma_start3A_27 = tpu.memref_slice %arg4[%add3A, %dma_start3A, %dma_start3A_26] : memref<32x80x128xi32, #tpu.memory_space<hbm>> -> memref<1x80x128xi32, #tpu.memory_space<hbm>>
      %dma_start3A_28 = tpu.memref_squeeze %dma_start3A_27 : memref<1x80x128xi32, #tpu.memory_space<hbm>> -> memref<80x128xi32, #tpu.memory_space<hbm>>
      %dma_start3A_29 = arith.constant 0 : i32
      %dma_start3A_30 = arith.constant 0 : i32
      %dma_start3A_31 = tpu.memref_slice %arg4[%add3A, %dma_start3A_29, %dma_start3A_30] : memref<32x80x128xi32, #tpu.memory_space<hbm>> -> memref<1x80x128xi32, #tpu.memory_space<hbm>>
      %dma_start3A_32 = tpu.memref_squeeze %dma_start3A_31 : memref<1x80x128xi32, #tpu.memory_space<hbm>> -> memref<80x128xi32, #tpu.memory_space<hbm>>
      tpu.enqueue_dma source(%dma_start3A_32 : memref<80x128xi32, #tpu.memory_space<hbm>>) target(%arg7 : memref<80x128xi32, #tpu.memory_space<vmem>>) target_semaphore(%run_scoped3A : memref<!tpu.dma_semaphore, #tpu.memory_space<semaphore_mem>>)
      %dma_wait3A = arith.constant 0 : i32
      %dma_wait3A_33 = arith.constant 0 : i32
      %dma_wait3A_34 = tpu.memref_slice %arg4[%add3A, %dma_wait3A, %dma_wait3A_33] : memref<32x80x128xi32, #tpu.memory_space<hbm>> -> memref<1x80x128xi32, #tpu.memory_space<hbm>>
      %dma_wait3A_35 = tpu.memref_squeeze %dma_wait3A_34 : memref<1x80x128xi32, #tpu.memory_space<hbm>> -> memref<80x128xi32, #tpu.memory_space<hbm>>
      %dma_wait3A_36 = arith.constant 0 : i32
      %dma_wait3A_37 = arith.constant 0 : i32
      %dma_wait3A_38 = tpu.memref_slice %arg4[%add3A, %dma_wait3A_36, %dma_wait3A_37] : memref<32x80x128xi32, #tpu.memory_space<hbm>> -> memref<1x80x128xi32, #tpu.memory_space<hbm>>
      %dma_wait3A_39 = tpu.memref_squeeze %dma_wait3A_38 : memref<1x80x128xi32, #tpu.memory_space<hbm>> -> memref<80x128xi32, #tpu.memory_space<hbm>>
      tpu.wait_dma2 semaphore(%run_scoped3A : memref<!tpu.dma_semaphore, #tpu.memory_space<semaphore_mem>>) src(%dma_wait3A_39 : memref<80x128xi32, #tpu.memory_space<hbm>>) dst(%arg7 : memref<80x128xi32, #tpu.memory_space<vmem>>)
      tpu.yield
    }) : () -> ()
    %barrier3A = arith.constant 0 : index
    tpu.barrier barrier_id(%barrier3A)
    %scan3A_14 = arith.constant 0 : i32
    %scan3A_15 = arith.constant 0 : i32
    %scan3A_16 = arith.constant 80 : i32
    %scan3A_17 = arith.addi %scan3A_15, %scan3A_16 : i32
    %scan3A_18 = arith.constant 1 : i32
    %scan3A_19 = scf.for %scan3A_26 = %scan3A_15 to %scan3A_17 step %scan3A_18 iter_args(%scan3A_27 = %scan3A_14) -> (i32)  : i32 {
      %dma_start3A = arith.constant 0 : i32
      %dma_start3A_28 = tpu.memref_slice %arg6[%scan3A_26, %dma_start3A] : memref<80x128xi32, #tpu.memory_space<vmem>> -> memref<1x128xi32, #tpu.memory_space<vmem>>
      %dma_start3A_29 = tpu.memref_squeeze %dma_start3A_28 : memref<1x128xi32, #tpu.memory_space<vmem>> -> memref<128xi32, #tpu.memory_space<vmem>>
      %dma_start3A_30 = arith.constant 0 : i32
      %dma_start3A_31 = arith.constant 0 : i32
      %dma_start3A_32 = tpu.memref_slice %arg2[%dma_start3A_30, %dma_start3A_31] : memref<10000x128xf32, #tpu.memory_space<hbm>> -> memref<10000x128xf32, #tpu.memory_space<hbm>>
      tpu.enqueue_indirect_dma source(%dma_start3A_32 : memref<10000x128xf32, #tpu.memory_space<hbm>>) target(%arg8 : memref<128x128xf32, #tpu.memory_space<vmem>>) offsets(%dma_start3A_29 : memref<128xi32, #tpu.memory_space<vmem>>) semaphore(%arg10 : memref<!tpu.dma_semaphore, #tpu.memory_space<semaphore_mem>>)
      %dma_wait3A = arith.constant 0 : i32
      %dma_wait3A_33 = tpu.memref_slice %arg6[%scan3A_26, %dma_wait3A] : memref<80x128xi32, #tpu.memory_space<vmem>> -> memref<1x128xi32, #tpu.memory_space<vmem>>
      %dma_wait3A_34 = tpu.memref_squeeze %dma_wait3A_33 : memref<1x128xi32, #tpu.memory_space<vmem>> -> memref<128xi32, #tpu.memory_space<vmem>>
      %dma_wait3A_35 = arith.constant 0 : i32
      %dma_wait3A_36 = arith.constant 0 : i32
      %dma_wait3A_37 = tpu.memref_slice %arg2[%dma_wait3A_35, %dma_wait3A_36] : memref<10000x128xf32, #tpu.memory_space<hbm>> -> memref<10000x128xf32, #tpu.memory_space<hbm>>
      tpu.wait_indirect_dma semaphore(%arg10 : memref<!tpu.dma_semaphore, #tpu.memory_space<semaphore_mem>>) src(%dma_wait3A_37 : memref<10000x128xf32, #tpu.memory_space<hbm>>) dst(%arg8 : memref<128x128xf32, #tpu.memory_space<vmem>>)
      "tpu.region"() ({
        %run_scoped3A = tpu.sem_alloc : memref<!tpu.dma_semaphore, #tpu.memory_space<semaphore_mem>>
        %dma_start3A_39 = arith.constant 0 : i32
        %dma_start3A_40 = tpu.memref_slice %arg7[%scan3A_26, %dma_start3A_39] : memref<80x128xi32, #tpu.memory_space<vmem>> -> memref<1x128xi32, #tpu.memory_space<vmem>>
        %dma_start3A_41 = tpu.memref_squeeze %dma_start3A_40 : memref<1x128xi32, #tpu.memory_space<vmem>> -> memref<128xi32, #tpu.memory_space<vmem>>
        %dma_start3A_42 = arith.constant 0 : i32
        %dma_start3A_43 = arith.constant 0 : i32
        %dma_start3A_44 = tpu.memref_slice %arg9[%dma_start3A_42, %dma_start3A_43] : memref<10240x128xf32, #tpu.memory_space<vmem_shared>> -> memref<10240x128xf32, #tpu.memory_space<vmem_shared>>
        tpu.enqueue_indirect_dma source(%arg8 : memref<128x128xf32, #tpu.memory_space<vmem>>) target(%dma_start3A_44 : memref<10240x128xf32, #tpu.memory_space<vmem_shared>>) offsets(%dma_start3A_41 : memref<128xi32, #tpu.memory_space<vmem>>) semaphore(%run_scoped3A : memref<!tpu.dma_semaphore, #tpu.memory_space<semaphore_mem>>) {add = true}
        %dma_wait3A_45 = arith.constant 0 : i32
        %dma_wait3A_46 = tpu.memref_slice %arg7[%scan3A_26, %dma_wait3A_45] : memref<80x128xi32, #tpu.memory_space<vmem>> -> memref<1x128xi32, #tpu.memory_space<vmem>>
        %dma_wait3A_47 = tpu.memref_squeeze %dma_wait3A_46 : memref<1x128xi32, #tpu.memory_space<vmem>> -> memref<128xi32, #tpu.memory_space<vmem>>
        %dma_wait3A_48 = arith.constant 0 : i32
        %dma_wait3A_49 = arith.constant 0 : i32
        %dma_wait3A_50 = tpu.memref_slice %arg9[%dma_wait3A_48, %dma_wait3A_49] : memref<10240x128xf32, #tpu.memory_space<vmem_shared>> -> memref<10240x128xf32, #tpu.memory_space<vmem_shared>>
        tpu.wait_indirect_dma semaphore(%run_scoped3A : memref<!tpu.dma_semaphore, #tpu.memory_space<semaphore_mem>>) src(%arg8 : memref<128x128xf32, #tpu.memory_space<vmem>>) dst(%dma_wait3A_50 : memref<10240x128xf32, #tpu.memory_space<vmem_shared>>)
        tpu.yield
      }) : () -> ()
      %scan3A_38 = arith.constant 0 : i32
      scf.yield %scan3A_38 : i32
    }
    %scan3A_20 = arith.constant 80 : i32
    %barrier3A_21 = arith.constant 0 : index
    tpu.barrier barrier_id(%barrier3A_21)
    %mul3A_22 = arith.constant 640 : i32
    %mul3A_23 = arith.muli %arg1, %mul3A_22 : i32
    %mul3A_24 = arith.constant 640 : i32
    %mul3A_25 = arith.muli %arg1, %mul3A_24 : i32
    "tpu.region"() ({
      %run_scoped3A = tpu.sem_alloc : memref<!tpu.dma_semaphore, #tpu.memory_space<semaphore_mem>>
      %dma_start3A = arith.constant 0 : i32
      %dma_start3A_26 = arith.constant 0 : i32
      %dma_start3A_27 = tpu.memref_slice %arg5[%arg0, %dma_start3A, %dma_start3A_26] : memref<2x10240x128xf32, #tpu.memory_space<hbm>> -> memref<1x10240x128xf32, #tpu.memory_space<hbm>>
      %dma_start3A_28 = tpu.memref_squeeze %dma_start3A_27 : memref<1x10240x128xf32, #tpu.memory_space<hbm>> -> memref<10240x128xf32, #tpu.memory_space<hbm>>
      %dma_start3A_29 = arith.constant 0 : i32
      %dma_start3A_30 = tpu.memref_slice %dma_start3A_28[%mul3A_25, %dma_start3A_29] : memref<10240x128xf32, #tpu.memory_space<hbm>> -> memref<640x128xf32, #tpu.memory_space<hbm>>
      %dma_start3A_31 = arith.constant 0 : i32
      %dma_start3A_32 = tpu.memref_slice %arg9[%mul3A_23, %dma_start3A_31] : memref<10240x128xf32, #tpu.memory_space<vmem_shared>> -> memref<640x128xf32, #tpu.memory_space<vmem_shared>>
      tpu.enqueue_dma source(%dma_start3A_32 : memref<640x128xf32, #tpu.memory_space<vmem_shared>>) target(%dma_start3A_30 : memref<640x128xf32, #tpu.memory_space<hbm>>) target_semaphore(%run_scoped3A : memref<!tpu.dma_semaphore, #tpu.memory_space<semaphore_mem>>)
      %dma_wait3A = arith.constant 0 : i32
      %dma_wait3A_33 = arith.constant 0 : i32
      %dma_wait3A_34 = tpu.memref_slice %arg5[%arg0, %dma_wait3A, %dma_wait3A_33] : memref<2x10240x128xf32, #tpu.memory_space<hbm>> -> memref<1x10240x128xf32, #tpu.memory_space<hbm>>
      %dma_wait3A_35 = tpu.memref_squeeze %dma_wait3A_34 : memref<1x10240x128xf32, #tpu.memory_space<hbm>> -> memref<10240x128xf32, #tpu.memory_space<hbm>>
      %dma_wait3A_36 = arith.constant 0 : i32
      %dma_wait3A_37 = tpu.memref_slice %dma_wait3A_35[%mul3A_25, %dma_wait3A_36] : memref<10240x128xf32, #tpu.memory_space<hbm>> -> memref<640x128xf32, #tpu.memory_space<hbm>>
      %dma_wait3A_38 = arith.constant 0 : i32
      %dma_wait3A_39 = tpu.memref_slice %arg9[%mul3A_23, %dma_wait3A_38] : memref<10240x128xf32, #tpu.memory_space<vmem_shared>> -> memref<640x128xf32, #tpu.memory_space<vmem_shared>>
      tpu.wait_dma2 semaphore(%run_scoped3A : memref<!tpu.dma_semaphore, #tpu.memory_space<semaphore_mem>>) src(%dma_wait3A_39 : memref<640x128xf32, #tpu.memory_space<vmem_shared>>) dst(%dma_wait3A_37 : memref<640x128xf32, #tpu.memory_space<hbm>>)
      tpu.yield
    }) : () -> ()
    return
  }
}

#map = affine_map<(d0, d1) -> (0, 0)>
#map1 = affine_map<(d0, d1) -> (0, 0, 0)>
module attributes {stable_mosaic.version = 14 : i64} {
  func.func @scat_k(%arg0: i32, %arg1: i32, %arg2: memref<10000x128xf32, #tpu.memory_space<hbm>>, %arg3: memref<32x80x128xi32, #tpu.memory_space<hbm>>, %arg4: memref<32x80x128xi32, #tpu.memory_space<hbm>>, %arg5: memref<2x10240x128xf32, #tpu.memory_space<hbm>>, %arg6: memref<80x128xi32, #tpu.memory_space<vmem>>, %arg7: memref<80x128xi32, #tpu.memory_space<vmem>>, %arg8: memref<128x128xf32, #tpu.memory_space<vmem>>, %arg9: memref<10240x128xf32, #tpu.memory_space<vmem_shared>>, %arg10: memref<!tpu.dma_semaphore, #tpu.memory_space<semaphore_mem>>) attributes {dimension_semantics = [#tpu.dimension_semantics<core_parallel>, #tpu.dimension_semantics<subcore_parallel>], iteration_bounds = array<i64: 2, 16>, scalar_prefetch = 0 : i64, scratch_operands = 5 : i64, tpu.core_type = #tpu.core_type<sc_vector_subcore>, window_params = [{transform_indices = #map}, {transform_indices = #map1}, {transform_indices = #map1}, {transform_indices = #map1}]} {
    %mul3A = arith.constant 16 : i32
    %mul3A_0 = arith.muli %arg0, %mul3A : i32
    %add3A = arith.addi %mul3A_0, %arg1 : i32
    %scan3A = arith.constant 0 : i32
    %scan3A_1 = arith.constant 0 : i32
    %scan3A_2 = arith.constant 1024 : i32
    %scan3A_3 = arith.addi %scan3A_1, %scan3A_2 : i32
    %scan3A_4 = arith.constant 1 : i32
    %scan3A_5 = scf.for %scan3A_26 = %scan3A_1 to %scan3A_3 step %scan3A_4 iter_args(%scan3A_27 = %scan3A) -> (i32)  : i32 {
      %jit3A = arith.constant 8 : i32
      %div3A = arith.divsi %scan3A_26, %jit3A : i32
      %sign3A = arith.constant 0 : i32
      %sign3A_28 = arith.cmpi sgt, %scan3A_26, %sign3A : i32
      %sign3A_29 = arith.extui %sign3A_28 : i1 to i32
      %sign3A_30 = arith.constant 0 : i32
      %sign3A_31 = arith.cmpi slt, %scan3A_26, %sign3A_30 : i32
      %sign3A_32 = arith.extui %sign3A_31 : i1 to i32
      %sign3A_33 = arith.subi %sign3A_29, %sign3A_32 : i32
      %sign3A_34 = arith.constant 0 : i32
      %sign3A_35 = arith.cmpi sgt, %jit3A, %sign3A_34 : i32
      %sign3A_36 = arith.extui %sign3A_35 : i1 to i32
      %sign3A_37 = arith.constant 0 : i32
      %sign3A_38 = arith.cmpi slt, %jit3A, %sign3A_37 : i32
      %sign3A_39 = arith.extui %sign3A_38 : i1 to i32
      %sign3A_40 = arith.subi %sign3A_36, %sign3A_39 : i32
      %ne3A = arith.cmpi ne, %sign3A_33, %sign3A_40 : i32
      %rem3A = arith.remsi %scan3A_26, %jit3A : i32
      %ne3A_41 = arith.constant 0 : i32
      %ne3A_42 = arith.cmpi ne, %rem3A, %ne3A_41 : i32
      %and3A = arith.andi %ne3A, %ne3A_42 : i1
      %sub3A = arith.constant 1 : i32
      %sub3A_43 = arith.subi %div3A, %sub3A : i32
      %select_n3A = arith.select %and3A, %sub3A_43, %div3A : i32
      %jit3A_44 = arith.constant 8 : i32
      %eq3A = arith.constant 0 : i32
      %eq3A_45 = arith.cmpi eq, %jit3A_44, %eq3A : i32
      %jit3A_46 = arith.constant 1 : i32
      %select_n3A_47 = arith.select %eq3A_45, %jit3A_46, %jit3A_44 : i32
      %rem3A_48 = arith.remsi %scan3A_26, %select_n3A_47 : i32
      %ne3A_49 = arith.constant 0 : i32
      %ne3A_50 = arith.cmpi ne, %rem3A_48, %ne3A_49 : i32
      %lt3A = arith.constant 0 : i32
      %lt3A_51 = arith.cmpi slt, %rem3A_48, %lt3A : i32
      %lt3A_52 = arith.constant 0 : i32
      %lt3A_53 = arith.cmpi slt, %select_n3A_47, %lt3A_52 : i32
      %ne3A_54 = arith.xori %lt3A_51, %lt3A_53 : i1
      %and3A_55 = arith.andi %ne3A_54, %ne3A_50 : i1
      %add3A_56 = arith.addi %rem3A_48, %select_n3A_47 : i32
      %select_n3A_57 = arith.select %and3A_55, %add3A_56, %rem3A_48 : i32
      %broadcast_in_dim3A = arith.constant 0.000000e+00 : f32
      %broadcast_in_dim3A_58 = vector.broadcast %broadcast_in_dim3A : f32 to vector<16xf32>
      %mul3A_59 = arith.constant 16 : i32
      %mul3A_60 = arith.muli %select_n3A_57, %mul3A_59 : i32
      %swap3A = arith.index_cast %select_n3A : i32 to index
      %swap3A_61 = arith.index_cast %mul3A_60 : i32 to index
      %swap3A_62 = tpu.vector_load %arg8[%swap3A, %swap3A_61] {strides = array<i32>} : memref<128x128xf32, #tpu.memory_space<vmem>>, vector<1x16xf32>,
      %swap3A_63 = vector.shape_cast %swap3A_62 : vector<1x16xf32> to vector<16xf32>
      %swap3A_64 = vector.shape_cast %broadcast_in_dim3A_58 : vector<16xf32> to vector<1x16xf32>
      tpu.vector_store %arg8[%swap3A, %swap3A_61], %swap3A_64 {strides = array<i32>} : memref<128x128xf32, #tpu.memory_space<vmem>>, vector<1x16xf32>,
      %scan3A_65 = arith.constant 0 : i32
      scf.yield %scan3A_65 : i32
    }
    %scan3A_6 = arith.constant 1024 : i32
    %scan3A_7 = arith.constant 0 : i32
    %scan3A_8 = arith.constant 0 : i32
    %scan3A_9 = arith.constant 5 : i32
    %scan3A_10 = arith.addi %scan3A_8, %scan3A_9 : i32
    %scan3A_11 = arith.constant 1 : i32
    %scan3A_12 = scf.for %scan3A_26 = %scan3A_8 to %scan3A_10 step %scan3A_11 iter_args(%scan3A_27 = %scan3A_7) -> (i32)  : i32 {
      %mul3A_28 = arith.constant 640 : i32
      %mul3A_29 = arith.muli %arg1, %mul3A_28 : i32
      %mul3A_30 = arith.constant 128 : i32
      %mul3A_31 = arith.muli %scan3A_26, %mul3A_30 : i32
      %add3A_32 = arith.addi %mul3A_29, %mul3A_31 : i32
      "tpu.region"() ({
        %run_scoped3A = tpu.sem_alloc : memref<!tpu.dma_semaphore, #tpu.memory_space<semaphore_mem>>
        %dma_start3A = arith.constant 0 : i32
        %dma_start3A_34 = tpu.memref_slice %arg9[%add3A_32, %dma_start3A] : memref<10240x128xf32, #tpu.memory_space<vmem_shared>> -> memref<128x128xf32, #tpu.memory_space<vmem_shared>>
        %dma_start3A_35 = arith.constant 0 : i32
        %dma_start3A_36 = tpu.memref_slice %arg9[%add3A_32, %dma_start3A_35] : memref<10240x128xf32, #tpu.memory_space<vmem_shared>> -> memref<128x128xf32, #tpu.memory_space<vmem_shared>>
        tpu.enqueue_dma source(%arg8 : memref<128x128xf32, #tpu.memory_space<vmem>>) target(%dma_start3A_36 : memref<128x128xf32, #tpu.memory_space<vmem_shared>>) target_semaphore(%run_scoped3A : memref<!tpu.dma_semaphore, #tpu.memory_space<semaphore_mem>>)
        %dma_wait3A = arith.constant 0 : i32
        %dma_wait3A_37 = tpu.memref_slice %arg9[%add3A_32, %dma_wait3A] : memref<10240x128xf32, #tpu.memory_space<vmem_shared>> -> memref<128x128xf32, #tpu.memory_space<vmem_shared>>
        %dma_wait3A_38 = arith.constant 0 : i32
        %dma_wait3A_39 = tpu.memref_slice %arg9[%add3A_32, %dma_wait3A_38] : memref<10240x128xf32, #tpu.memory_space<vmem_shared>> -> memref<128x128xf32, #tpu.memory_space<vmem_shared>>
        tpu.wait_dma2 semaphore(%run_scoped3A : memref<!tpu.dma_semaphore, #tpu.memory_space<semaphore_mem>>) src(%arg8 : memref<128x128xf32, #tpu.memory_space<vmem>>) dst(%dma_wait3A_39 : memref<128x128xf32, #tpu.memory_space<vmem_shared>>)
        tpu.yield
      }) : () -> ()
      %scan3A_33 = arith.constant 0 : i32
      scf.yield %scan3A_33 : i32
    }
    %scan3A_13 = arith.constant 5 : i32
    "tpu.region"() ({
      %run_scoped3A = tpu.sem_alloc : memref<!tpu.dma_semaphore, #tpu.memory_space<semaphore_mem>>
      %dma_start3A = arith.constant 0 : i32
      %dma_start3A_26 = arith.constant 0 : i32
      %dma_start3A_27 = tpu.memref_slice %arg3[%add3A, %dma_start3A, %dma_start3A_26] : memref<32x80x128xi32, #tpu.memory_space<hbm>> -> memref<1x80x128xi32, #tpu.memory_space<hbm>>
      %dma_start3A_28 = tpu.memref_squeeze %dma_start3A_27 : memref<1x80x128xi32, #tpu.memory_space<hbm>> -> memref<80x128xi32, #tpu.memory_space<hbm>>
      %dma_start3A_29 = arith.constant 0 : i32
      %dma_start3A_30 = arith.constant 0 : i32
      %dma_start3A_31 = tpu.memref_slice %arg3[%add3A, %dma_start3A_29, %dma_start3A_30] : memref<32x80x128xi32, #tpu.memory_space<hbm>> -> memref<1x80x128xi32, #tpu.memory_space<hbm>>
      %dma_start3A_32 = tpu.memref_squeeze %dma_start3A_31 : memref<1x80x128xi32, #tpu.memory_space<hbm>> -> memref<80x128xi32, #tpu.memory_space<hbm>>
      tpu.enqueue_dma source(%dma_start3A_32 : memref<80x128xi32, #tpu.memory_space<hbm>>) target(%arg6 : memref<80x128xi32, #tpu.memory_space<vmem>>) target_semaphore(%run_scoped3A : memref<!tpu.dma_semaphore, #tpu.memory_space<semaphore_mem>>)
      %dma_wait3A = arith.constant 0 : i32
      %dma_wait3A_33 = arith.constant 0 : i32
      %dma_wait3A_34 = tpu.memref_slice %arg3[%add3A, %dma_wait3A, %dma_wait3A_33] : memref<32x80x128xi32, #tpu.memory_space<hbm>> -> memref<1x80x128xi32, #tpu.memory_space<hbm>>
      %dma_wait3A_35 = tpu.memref_squeeze %dma_wait3A_34 : memref<1x80x128xi32, #tpu.memory_space<hbm>> -> memref<80x128xi32, #tpu.memory_space<hbm>>
      %dma_wait3A_36 = arith.constant 0 : i32
      %dma_wait3A_37 = arith.constant 0 : i32
      %dma_wait3A_38 = tpu.memref_slice %arg3[%add3A, %dma_wait3A_36, %dma_wait3A_37] : memref<32x80x128xi32, #tpu.memory_space<hbm>> -> memref<1x80x128xi32, #tpu.memory_space<hbm>>
      %dma_wait3A_39 = tpu.memref_squeeze %dma_wait3A_38 : memref<1x80x128xi32, #tpu.memory_space<hbm>> -> memref<80x128xi32, #tpu.memory_space<hbm>>
      tpu.wait_dma2 semaphore(%run_scoped3A : memref<!tpu.dma_semaphore, #tpu.memory_space<semaphore_mem>>) src(%dma_wait3A_39 : memref<80x128xi32, #tpu.memory_space<hbm>>) dst(%arg6 : memref<80x128xi32, #tpu.memory_space<vmem>>)
      tpu.yield
    }) : () -> ()
    "tpu.region"() ({
      %run_scoped3A = tpu.sem_alloc : memref<!tpu.dma_semaphore, #tpu.memory_space<semaphore_mem>>
      %dma_start3A = arith.constant 0 : i32
      %dma_start3A_26 = arith.constant 0 : i32
      %dma_start3A_27 = tpu.memref_slice %arg4[%add3A, %dma_start3A, %dma_start3A_26] : memref<32x80x128xi32, #tpu.memory_space<hbm>> -> memref<1x80x128xi32, #tpu.memory_space<hbm>>
      %dma_start3A_28 = tpu.memref_squeeze %dma_start3A_27 : memref<1x80x128xi32, #tpu.memory_space<hbm>> -> memref<80x128xi32, #tpu.memory_space<hbm>>
      %dma_start3A_29 = arith.constant 0 : i32
      %dma_start3A_30 = arith.constant 0 : i32
      %dma_start3A_31 = tpu.memref_slice %arg4[%add3A, %dma_start3A_29, %dma_start3A_30] : memref<32x80x128xi32, #tpu.memory_space<hbm>> -> memref<1x80x128xi32, #tpu.memory_space<hbm>>
      %dma_start3A_32 = tpu.memref_squeeze %dma_start3A_31 : memref<1x80x128xi32, #tpu.memory_space<hbm>> -> memref<80x128xi32, #tpu.memory_space<hbm>>
      tpu.enqueue_dma source(%dma_start3A_32 : memref<80x128xi32, #tpu.memory_space<hbm>>) target(%arg7 : memref<80x128xi32, #tpu.memory_space<vmem>>) target_semaphore(%run_scoped3A : memref<!tpu.dma_semaphore, #tpu.memory_space<semaphore_mem>>)
      %dma_wait3A = arith.constant 0 : i32
      %dma_wait3A_33 = arith.constant 0 : i32
      %dma_wait3A_34 = tpu.memref_slice %arg4[%add3A, %dma_wait3A, %dma_wait3A_33] : memref<32x80x128xi32, #tpu.memory_space<hbm>> -> memref<1x80x128xi32, #tpu.memory_space<hbm>>
      %dma_wait3A_35 = tpu.memref_squeeze %dma_wait3A_34 : memref<1x80x128xi32, #tpu.memory_space<hbm>> -> memref<80x128xi32, #tpu.memory_space<hbm>>
      %dma_wait3A_36 = arith.constant 0 : i32
      %dma_wait3A_37 = arith.constant 0 : i32
      %dma_wait3A_38 = tpu.memref_slice %arg4[%add3A, %dma_wait3A_36, %dma_wait3A_37] : memref<32x80x128xi32, #tpu.memory_space<hbm>> -> memref<1x80x128xi32, #tpu.memory_space<hbm>>
      %dma_wait3A_39 = tpu.memref_squeeze %dma_wait3A_38 : memref<1x80x128xi32, #tpu.memory_space<hbm>> -> memref<80x128xi32, #tpu.memory_space<hbm>>
      tpu.wait_dma2 semaphore(%run_scoped3A : memref<!tpu.dma_semaphore, #tpu.memory_space<semaphore_mem>>) src(%dma_wait3A_39 : memref<80x128xi32, #tpu.memory_space<hbm>>) dst(%arg7 : memref<80x128xi32, #tpu.memory_space<vmem>>)
      tpu.yield
    }) : () -> ()
    %barrier3A = arith.constant 0 : index
    tpu.barrier barrier_id(%barrier3A)
    %scan3A_14 = arith.constant 0 : i32
    %scan3A_15 = arith.constant 0 : i32
    %scan3A_16 = arith.constant 80 : i32
    %scan3A_17 = arith.addi %scan3A_15, %scan3A_16 : i32
    %scan3A_18 = arith.constant 1 : i32
    %scan3A_19 = scf.for %scan3A_26 = %scan3A_15 to %scan3A_17 step %scan3A_18 iter_args(%scan3A_27 = %scan3A_14) -> (i32)  : i32 {
      %dma_start3A = arith.constant 0 : i32
      %dma_start3A_28 = tpu.memref_slice %arg6[%scan3A_26, %dma_start3A] : memref<80x128xi32, #tpu.memory_space<vmem>> -> memref<1x128xi32, #tpu.memory_space<vmem>>
      %dma_start3A_29 = tpu.memref_squeeze %dma_start3A_28 : memref<1x128xi32, #tpu.memory_space<vmem>> -> memref<128xi32, #tpu.memory_space<vmem>>
      %dma_start3A_30 = arith.constant 0 : i32
      %dma_start3A_31 = arith.constant 0 : i32
      %dma_start3A_32 = tpu.memref_slice %arg2[%dma_start3A_30, %dma_start3A_31] : memref<10000x128xf32, #tpu.memory_space<hbm>> -> memref<10000x128xf32, #tpu.memory_space<hbm>>
      tpu.enqueue_indirect_dma source(%dma_start3A_32 : memref<10000x128xf32, #tpu.memory_space<hbm>>) target(%arg8 : memref<128x128xf32, #tpu.memory_space<vmem>>) offsets(%dma_start3A_29 : memref<128xi32, #tpu.memory_space<vmem>>) semaphore(%arg10 : memref<!tpu.dma_semaphore, #tpu.memory_space<semaphore_mem>>)
      %dma_wait3A = arith.constant 0 : i32
      %dma_wait3A_33 = tpu.memref_slice %arg6[%scan3A_26, %dma_wait3A] : memref<80x128xi32, #tpu.memory_space<vmem>> -> memref<1x128xi32, #tpu.memory_space<vmem>>
      %dma_wait3A_34 = tpu.memref_squeeze %dma_wait3A_33 : memref<1x128xi32, #tpu.memory_space<vmem>> -> memref<128xi32, #tpu.memory_space<vmem>>
      %dma_wait3A_35 = arith.constant 0 : i32
      %dma_wait3A_36 = arith.constant 0 : i32
      %dma_wait3A_37 = tpu.memref_slice %arg2[%dma_wait3A_35, %dma_wait3A_36] : memref<10000x128xf32, #tpu.memory_space<hbm>> -> memref<10000x128xf32, #tpu.memory_space<hbm>>
      tpu.wait_indirect_dma semaphore(%arg10 : memref<!tpu.dma_semaphore, #tpu.memory_space<semaphore_mem>>) src(%dma_wait3A_37 : memref<10000x128xf32, #tpu.memory_space<hbm>>) dst(%arg8 : memref<128x128xf32, #tpu.memory_space<vmem>>)
      "tpu.region"() ({
        %run_scoped3A = tpu.sem_alloc : memref<!tpu.dma_semaphore, #tpu.memory_space<semaphore_mem>>
        %dma_start3A_39 = arith.constant 0 : i32
        %dma_start3A_40 = tpu.memref_slice %arg7[%scan3A_26, %dma_start3A_39] : memref<80x128xi32, #tpu.memory_space<vmem>> -> memref<1x128xi32, #tpu.memory_space<vmem>>
        %dma_start3A_41 = tpu.memref_squeeze %dma_start3A_40 : memref<1x128xi32, #tpu.memory_space<vmem>> -> memref<128xi32, #tpu.memory_space<vmem>>
        %dma_start3A_42 = arith.constant 0 : i32
        %dma_start3A_43 = arith.constant 0 : i32
        %dma_start3A_44 = tpu.memref_slice %arg9[%dma_start3A_42, %dma_start3A_43] : memref<10240x128xf32, #tpu.memory_space<vmem_shared>> -> memref<10240x128xf32, #tpu.memory_space<vmem_shared>>
        tpu.enqueue_indirect_dma source(%arg8 : memref<128x128xf32, #tpu.memory_space<vmem>>) target(%dma_start3A_44 : memref<10240x128xf32, #tpu.memory_space<vmem_shared>>) offsets(%dma_start3A_41 : memref<128xi32, #tpu.memory_space<vmem>>) semaphore(%run_scoped3A : memref<!tpu.dma_semaphore, #tpu.memory_space<semaphore_mem>>) {add = true}
        %dma_wait3A_45 = arith.constant 0 : i32
        %dma_wait3A_46 = tpu.memref_slice %arg7[%scan3A_26, %dma_wait3A_45] : memref<80x128xi32, #tpu.memory_space<vmem>> -> memref<1x128xi32, #tpu.memory_space<vmem>>
        %dma_wait3A_47 = tpu.memref_squeeze %dma_wait3A_46 : memref<1x128xi32, #tpu.memory_space<vmem>> -> memref<128xi32, #tpu.memory_space<vmem>>
        %dma_wait3A_48 = arith.constant 0 : i32
        %dma_wait3A_49 = arith.constant 0 : i32
        %dma_wait3A_50 = tpu.memref_slice %arg9[%dma_wait3A_48, %dma_wait3A_49] : memref<10240x128xf32, #tpu.memory_space<vmem_shared>> -> memref<10240x128xf32, #tpu.memory_space<vmem_shared>>
        tpu.wait_indirect_dma semaphore(%run_scoped3A : memref<!tpu.dma_semaphore, #tpu.memory_space<semaphore_mem>>) src(%arg8 : memref<128x128xf32, #tpu.memory_space<vmem>>) dst(%dma_wait3A_50 : memref<10240x128xf32, #tpu.memory_space<vmem_shared>>)
        tpu.yield
      }) : () -> ()
      %scan3A_38 = arith.constant 0 : i32
      scf.yield %scan3A_38 : i32
    }
    %scan3A_20 = arith.constant 80 : i32
    %barrier3A_21 = arith.constant 0 : index
    tpu.barrier barrier_id(%barrier3A_21)
    %mul3A_22 = arith.constant 640 : i32
    %mul3A_23 = arith.muli %arg1, %mul3A_22 : i32
    %mul3A_24 = arith.constant 640 : i32
    %mul3A_25 = arith.muli %arg1, %mul3A_24 : i32
    "tpu.region"() ({
      %run_scoped3A = tpu.sem_alloc : memref<!tpu.dma_semaphore, #tpu.memory_space<semaphore_mem>>
      %dma_start3A = arith.constant 0 : i32
      %dma_start3A_26 = arith.constant 0 : i32
      %dma_start3A_27 = tpu.memref_slice %arg5[%arg0, %dma_start3A, %dma_start3A_26] : memref<2x10240x128xf32, #tpu.memory_space<hbm>> -> memref<1x10240x128xf32, #tpu.memory_space<hbm>>
      %dma_start3A_28 = tpu.memref_squeeze %dma_start3A_27 : memref<1x10240x128xf32, #tpu.memory_space<hbm>> -> memref<10240x128xf32, #tpu.memory_space<hbm>>
      %dma_start3A_29 = arith.constant 0 : i32
      %dma_start3A_30 = tpu.memref_slice %dma_start3A_28[%mul3A_25, %dma_start3A_29] : memref<10240x128xf32, #tpu.memory_space<hbm>> -> memref<640x128xf32, #tpu.memory_space<hbm>>
      %dma_start3A_31 = arith.constant 0 : i32
      %dma_start3A_32 = tpu.memref_slice %arg9[%mul3A_23, %dma_start3A_31] : memref<10240x128xf32, #tpu.memory_space<vmem_shared>> -> memref<640x128xf32, #tpu.memory_space<vmem_shared>>
      tpu.enqueue_dma source(%dma_start3A_32 : memref<640x128xf32, #tpu.memory_space<vmem_shared>>) target(%dma_start3A_30 : memref<640x128xf32, #tpu.memory_space<hbm>>) target_semaphore(%run_scoped3A : memref<!tpu.dma_semaphore, #tpu.memory_space<semaphore_mem>>)
      %dma_wait3A = arith.constant 0 : i32
      %dma_wait3A_33 = arith.constant 0 : i32
      %dma_wait3A_34 = tpu.memref_slice %arg5[%arg0, %dma_wait3A, %dma_wait3A_33] : memref<2x10240x128xf32, #tpu.memory_space<hbm>> -> memref<1x10240x128xf32, #tpu.memory_space<hbm>>
      %dma_wait3A_35 = tpu.memref_squeeze %dma_wait3A_34 : memref<1x10240x128xf32, #tpu.memory_space<hbm>> -> memref<10240x128xf32, #tpu.memory_space<hbm>>
      %dma_wait3A_36 = arith.constant 0 : i32
      %dma_wait3A_37 = tpu.memref_slice %dma_wait3A_35[%mul3A_25, %dma_wait3A_36] : memref<10240x128xf32, #tpu.memory_space<hbm>> -> memref<640x128xf32, #tpu.memory_space<hbm>>
      %dma_wait3A_38 = arith.constant 0 : i32
      %dma_wait3A_39 = tpu.memref_slice %arg9[%mul3A_23, %dma_wait3A_38] : memref<10240x128xf32, #tpu.memory_space<vmem_shared>> -> memref<640x128xf32, #tpu.memory_space<vmem_shared>>
      tpu.wait_dma2 semaphore(%run_scoped3A : memref<!tpu.dma_semaphore, #tpu.memory_space<semaphore_mem>>) src(%dma_wait3A_39 : memref<640x128xf32, #tpu.memory_space<vmem_shared>>) dst(%dma_wait3A_37 : memref<640x128xf32, #tpu.memory_space<hbm>>)
      tpu.yield
    }) : () -> ()
    return
  }
}

module attributes {stable_mosaic.version = 14 : i64} {
  func.func @_tc1_body(%arg0: i32, %arg1: memref<1000x128xf32, #tpu.memory_space<vmem>>, %arg2: memref<128x128xf32, #tpu.memory_space<vmem>>, %arg3: memref<2x1000x16xf32, #tpu.memory_space<vmem>>, %arg4: memref<1000x128xf32, #tpu.memory_space<vmem>>) attributes {dimension_semantics = [#tpu.dimension_semantics<arbitrary>], iteration_bounds = array<i64: 10>, scalar_prefetch = 0 : i64, scratch_operands = 0 : i64, tpu.core_type = #tpu.core_type<tc>, window_params = [{transform_indices = @transform_0, window_bounds = array<i64: 1000, 128>}, {pipeline_mode = #tpu.pipeline_mode<synchronous>, transform_indices = @transform_1, window_bounds = array<i64: 128, 128>}, {transform_indices = @transform_2, window_bounds = array<i64: 2, 1000, 16>}, {transform_indices = @transform_3, window_bounds = array<i64: 1000, 128>}]} {
    %get3A = arith.constant 0 : index
    %get3A_0 = arith.constant 0 : index
    %get3A_1 = vector.load %arg1[%get3A, %get3A_0] : memref<1000x128xf32, #tpu.memory_space<vmem>>, vector<1000x128xf32>
    %get3A_2 = arith.constant 0 : index
    %get3A_3 = arith.constant 0 : index
    %get3A_4 = vector.load %arg2[%get3A_2, %get3A_3] : memref<128x128xf32, #tpu.memory_space<vmem>>, vector<128x128xf32>
    %dot_general3A = arith.constant dense<0.000000e+00> : vector<1000x128xf32>
    %dot_general3A_5 = tpu.matmul %get3A_1, %get3A_4, %dot_general3A {dimension_numbers = #tpu.dot_dimension_numbers<[1], [0], [0], [1], [0, 0, 1, 1], [], []>, transpose_lhs_hint = false} : vector<1000x128xf32>, vector<128x128xf32>, vector<1000x128xf32> -> vector<1000x128xf32>
    %get3A_6 = arith.constant 0 : index
    %get3A_7 = arith.constant 0 : index
    %get3A_8 = arith.constant 0 : index
    %get3A_9 = vector.load %arg3[%get3A_6, %get3A_7, %get3A_8] : memref<2x1000x16xf32, #tpu.memory_space<vmem>>, vector<1x1000x1xf32>
    %get3A_10 = vector.shape_cast %get3A_9 : vector<1x1000x1xf32> to vector<1000x1xf32>
    %get3A_11 = arith.constant 1 : index
    %get3A_12 = arith.constant 0 : index
    %get3A_13 = arith.constant 0 : index
    %get3A_14 = vector.load %arg3[%get3A_11, %get3A_12, %get3A_13] : memref<2x1000x16xf32, #tpu.memory_space<vmem>>, vector<1x1000x1xf32>
    %get3A_15 = vector.shape_cast %get3A_14 : vector<1x1000x1xf32> to vector<1000x1xf32>
    %add3A = arith.addf %get3A_10, %get3A_15 : vector<1000x1xf32>
    %add3A_16 = arith.constant 1.000000e+00 : f32
    %add3A_17 = vector.broadcast %add3A_16 : f32 to vector<1000x1xf32>
    %add3A_18 = arith.addf %add3A, %add3A_17 : vector<1000x1xf32>
    %rsqrt3A = math.rsqrt %add3A_18 : vector<1000x1xf32>
    %mul3A = vector.broadcast %rsqrt3A : vector<1000x1xf32> to vector<1000x128xf32>
    %mul3A_19 = arith.mulf %dot_general3A_5, %mul3A : vector<1000x128xf32>
    %swap3A = arith.constant 0 : index
    %swap3A_20 = arith.constant 0 : index
    %swap3A_21 = vector.load %arg4[%swap3A, %swap3A_20] : memref<1000x128xf32, #tpu.memory_space<vmem>>, vector<1000x128xf32>
    tpu.vector_store %arg4[%swap3A, %swap3A_20], %mul3A_19 {strides = array<i32>} : memref<1000x128xf32, #tpu.memory_space<vmem>>, vector<1000x128xf32>,
    return
  }
  func.func @transform_0(%arg0: i32) -> (i32, i32) {
    %c0_i32 = arith.constant 0 : i32
    %c0_i32_0 = arith.constant 0 : i32
    return %arg0, %c0_i32 : i32, i32
  }
  func.func @transform_1(%arg0: i32) -> (i32, i32) {
    %c0_i32 = arith.constant 0 : i32
    %c0_i32_0 = arith.constant 0 : i32
    %c0_i32_1 = arith.constant 0 : i32
    return %c0_i32, %c0_i32_0 : i32, i32
  }
  func.func @transform_2(%arg0: i32) -> (i32, i32, i32) {
    %c0_i32 = arith.constant 0 : i32
    %c0_i32_0 = arith.constant 0 : i32
    %c0_i32_1 = arith.constant 0 : i32
    return %c0_i32, %arg0, %c0_i32_0 : i32, i32, i32
  }
  func.func @transform_3(%arg0: i32) -> (i32, i32) {
    %c0_i32 = arith.constant 0 : i32
    %c0_i32_0 = arith.constant 0 : i32
    return %arg0, %c0_i32 : i32, i32
  }
}

module attributes {stable_mosaic.version = 14 : i64} {
  func.func @_tc2_body(%arg0: i32, %arg1: memref<2x1000x128xf32, #tpu.memory_space<vmem>>, %arg2: memref<1000x128xf32, #tpu.memory_space<vmem>>, %arg3: memref<2x1000x16xf32, #tpu.memory_space<vmem>>, %arg4: memref<1x128xf32, #tpu.memory_space<vmem>>, %arg5: memref<128x128xf32, #tpu.memory_space<vmem>>, %arg6: memref<1000x128xf32, #tpu.memory_space<vmem>>) attributes {dimension_semantics = [#tpu.dimension_semantics<arbitrary>], iteration_bounds = array<i64: 10>, scalar_prefetch = 0 : i64, scratch_operands = 0 : i64, tpu.core_type = #tpu.core_type<tc>, window_params = [{transform_indices = @transform_0, window_bounds = array<i64: 2, 1000, 128>}, {transform_indices = @transform_1, window_bounds = array<i64: 1000, 128>}, {transform_indices = @transform_2, window_bounds = array<i64: 2, 1000, 16>}, {pipeline_mode = #tpu.pipeline_mode<synchronous>, transform_indices = @transform_3, window_bounds = array<i64: 1, 128>}, {pipeline_mode = #tpu.pipeline_mode<synchronous>, transform_indices = @transform_4, window_bounds = array<i64: 128, 128>}, {transform_indices = @transform_5, window_bounds = array<i64: 1000, 128>}]} {
    %get3A = arith.constant 0 : index
    %get3A_0 = arith.constant 0 : index
    %get3A_1 = arith.constant 0 : index
    %get3A_2 = vector.load %arg1[%get3A, %get3A_0, %get3A_1] : memref<2x1000x128xf32, #tpu.memory_space<vmem>>, vector<1x1000x128xf32>
    %get3A_3 = vector.shape_cast %get3A_2 : vector<1x1000x128xf32> to vector<1000x128xf32>
    %get3A_4 = arith.constant 1 : index
    %get3A_5 = arith.constant 0 : index
    %get3A_6 = arith.constant 0 : index
    %get3A_7 = vector.load %arg1[%get3A_4, %get3A_5, %get3A_6] : memref<2x1000x128xf32, #tpu.memory_space<vmem>>, vector<1x1000x128xf32>
    %get3A_8 = vector.shape_cast %get3A_7 : vector<1x1000x128xf32> to vector<1000x128xf32>
    %add3A = arith.addf %get3A_3, %get3A_8 : vector<1000x128xf32>
    %get3A_9 = arith.constant 0 : index
    %get3A_10 = arith.constant 0 : index
    %get3A_11 = arith.constant 0 : index
    %get3A_12 = vector.load %arg3[%get3A_9, %get3A_10, %get3A_11] : memref<2x1000x16xf32, #tpu.memory_space<vmem>>, vector<1x1000x1xf32>
    %get3A_13 = vector.shape_cast %get3A_12 : vector<1x1000x1xf32> to vector<1000x1xf32>
    %get3A_14 = arith.constant 1 : index
    %get3A_15 = arith.constant 0 : index
    %get3A_16 = arith.constant 0 : index
    %get3A_17 = vector.load %arg3[%get3A_14, %get3A_15, %get3A_16] : memref<2x1000x16xf32, #tpu.memory_space<vmem>>, vector<1x1000x1xf32>
    %get3A_18 = vector.shape_cast %get3A_17 : vector<1x1000x1xf32> to vector<1000x1xf32>
    %add3A_19 = arith.addf %get3A_13, %get3A_18 : vector<1000x1xf32>
    %add3A_20 = arith.constant 1.000000e+00 : f32
    %add3A_21 = vector.broadcast %add3A_20 : f32 to vector<1000x1xf32>
    %add3A_22 = arith.addf %add3A_19, %add3A_21 : vector<1000x1xf32>
    %rsqrt3A = math.rsqrt %add3A_22 : vector<1000x1xf32>
    %get3A_23 = arith.constant 0 : index
    %get3A_24 = arith.constant 0 : index
    %get3A_25 = vector.load %arg2[%get3A_23, %get3A_24] : memref<1000x128xf32, #tpu.memory_space<vmem>>, vector<1000x128xf32>
    %add3A_26 = arith.addf %add3A, %get3A_25 : vector<1000x128xf32>
    %mul3A = vector.broadcast %rsqrt3A : vector<1000x1xf32> to vector<1000x128xf32>
    %mul3A_27 = arith.mulf %mul3A, %add3A_26 : vector<1000x128xf32>
    %get3A_28 = arith.constant 0 : index
    %get3A_29 = arith.constant 0 : index
    %get3A_30 = vector.load %arg4[%get3A_28, %get3A_29] : memref<1x128xf32, #tpu.memory_space<vmem>>, vector<1x128xf32>
    %add3A_31 = vector.broadcast %get3A_30 : vector<1x128xf32> to vector<1000x128xf32>
    %add3A_32 = arith.addf %mul3A_27, %add3A_31 : vector<1000x128xf32>
    %tanh3A = math.tanh %add3A_32 : vector<1000x128xf32>
    %get3A_33 = arith.constant 0 : index
    %get3A_34 = arith.constant 0 : index
    %get3A_35 = vector.load %arg5[%get3A_33, %get3A_34] : memref<128x128xf32, #tpu.memory_space<vmem>>, vector<128x128xf32>
    %dot_general3A = arith.constant dense<0.000000e+00> : vector<1000x128xf32>
    %dot_general3A_36 = tpu.matmul %tanh3A, %get3A_35, %dot_general3A {dimension_numbers = #tpu.dot_dimension_numbers<[1], [0], [0], [1], [0, 0, 1, 1], [], []>, transpose_lhs_hint = false} : vector<1000x128xf32>, vector<128x128xf32>, vector<1000x128xf32> -> vector<1000x128xf32>
    %mul3A_37 = vector.broadcast %rsqrt3A : vector<1000x1xf32> to vector<1000x128xf32>
    %mul3A_38 = arith.mulf %dot_general3A_36, %mul3A_37 : vector<1000x128xf32>
    %swap3A = arith.constant 0 : index
    %swap3A_39 = arith.constant 0 : index
    %swap3A_40 = vector.load %arg6[%swap3A, %swap3A_39] : memref<1000x128xf32, #tpu.memory_space<vmem>>, vector<1000x128xf32>
    tpu.vector_store %arg6[%swap3A, %swap3A_39], %mul3A_38 {strides = array<i32>} : memref<1000x128xf32, #tpu.memory_space<vmem>>, vector<1000x128xf32>,
    return
  }
  func.func @transform_0(%arg0: i32) -> (i32, i32, i32) {
    %c0_i32 = arith.constant 0 : i32
    %c0_i32_0 = arith.constant 0 : i32
    %c0_i32_1 = arith.constant 0 : i32
    return %c0_i32, %arg0, %c0_i32_0 : i32, i32, i32
  }
  func.func @transform_1(%arg0: i32) -> (i32, i32) {
    %c0_i32 = arith.constant 0 : i32
    %c0_i32_0 = arith.constant 0 : i32
    return %arg0, %c0_i32 : i32, i32
  }
  func.func @transform_2(%arg0: i32) -> (i32, i32, i32) {
    %c0_i32 = arith.constant 0 : i32
    %c0_i32_0 = arith.constant 0 : i32
    %c0_i32_1 = arith.constant 0 : i32
    return %c0_i32, %arg0, %c0_i32_0 : i32, i32, i32
  }
  func.func @transform_3(%arg0: i32) -> (i32, i32) {
    %c0_i32 = arith.constant 0 : i32
    %c0_i32_0 = arith.constant 0 : i32
    %c0_i32_1 = arith.constant 0 : i32
    return %c0_i32, %c0_i32_0 : i32, i32
  }
  func.func @transform_4(%arg0: i32) -> (i32, i32) {
    %c0_i32 = arith.constant 0 : i32
    %c0_i32_0 = arith.constant 0 : i32
    %c0_i32_1 = arith.constant 0 : i32
    return %c0_i32, %c0_i32_0 : i32, i32
  }
  func.func @transform_5(%arg0: i32) -> (i32, i32) {
    %c0_i32 = arith.constant 0 : i32
    %c0_i32_0 = arith.constant 0 : i32
    return %arg0, %c0_i32 : i32, i32
  }
}

module attributes {stable_mosaic.version = 14 : i64} {
  func.func @_tc3_body(%arg0: i32, %arg1: memref<2x1000x128xf32, #tpu.memory_space<vmem>>, %arg2: memref<1000x128xf32, #tpu.memory_space<vmem>>, %arg3: memref<2x1000x16xf32, #tpu.memory_space<vmem>>, %arg4: memref<1x128xf32, #tpu.memory_space<vmem>>, %arg5: memref<128x40xf32, #tpu.memory_space<vmem>>, %arg6: memref<1x40xf32, #tpu.memory_space<vmem>>, %arg7: memref<1000x40xf32, #tpu.memory_space<vmem>>, %arg8: memref<1000x128xf32, #tpu.memory_space<vmem>>) attributes {dimension_semantics = [#tpu.dimension_semantics<arbitrary>], iteration_bounds = array<i64: 10>, scalar_prefetch = 0 : i64, scratch_operands = 0 : i64, tpu.core_type = #tpu.core_type<tc>, window_params = [{transform_indices = @transform_0, window_bounds = array<i64: 2, 1000, 128>}, {transform_indices = @transform_1, window_bounds = array<i64: 1000, 128>}, {transform_indices = @transform_2, window_bounds = array<i64: 2, 1000, 16>}, {pipeline_mode = #tpu.pipeline_mode<synchronous>, transform_indices = @transform_3, window_bounds = array<i64: 1, 128>}, {pipeline_mode = #tpu.pipeline_mode<synchronous>, transform_indices = @transform_4, window_bounds = array<i64: 128, 40>}, {pipeline_mode = #tpu.pipeline_mode<synchronous>, transform_indices = @transform_5, window_bounds = array<i64: 1, 40>}, {transform_indices = @transform_6, window_bounds = array<i64: 1000, 40>}, {transform_indices = @transform_7, window_bounds = array<i64: 1000, 128>}]} {
    %get3A = arith.constant 0 : index
    %get3A_0 = arith.constant 0 : index
    %get3A_1 = arith.constant 0 : index
    %get3A_2 = vector.load %arg1[%get3A, %get3A_0, %get3A_1] : memref<2x1000x128xf32, #tpu.memory_space<vmem>>, vector<1x1000x128xf32>
    %get3A_3 = vector.shape_cast %get3A_2 : vector<1x1000x128xf32> to vector<1000x128xf32>
    %get3A_4 = arith.constant 1 : index
    %get3A_5 = arith.constant 0 : index
    %get3A_6 = arith.constant 0 : index
    %get3A_7 = vector.load %arg1[%get3A_4, %get3A_5, %get3A_6] : memref<2x1000x128xf32, #tpu.memory_space<vmem>>, vector<1x1000x128xf32>
    %get3A_8 = vector.shape_cast %get3A_7 : vector<1x1000x128xf32> to vector<1000x128xf32>
    %add3A = arith.addf %get3A_3, %get3A_8 : vector<1000x128xf32>
    %get3A_9 = arith.constant 0 : index
    %get3A_10 = arith.constant 0 : index
    %get3A_11 = arith.constant 0 : index
    %get3A_12 = vector.load %arg3[%get3A_9, %get3A_10, %get3A_11] : memref<2x1000x16xf32, #tpu.memory_space<vmem>>, vector<1x1000x1xf32>
    %get3A_13 = vector.shape_cast %get3A_12 : vector<1x1000x1xf32> to vector<1000x1xf32>
    %get3A_14 = arith.constant 1 : index
    %get3A_15 = arith.constant 0 : index
    %get3A_16 = arith.constant 0 : index
    %get3A_17 = vector.load %arg3[%get3A_14, %get3A_15, %get3A_16] : memref<2x1000x16xf32, #tpu.memory_space<vmem>>, vector<1x1000x1xf32>
    %get3A_18 = vector.shape_cast %get3A_17 : vector<1x1000x1xf32> to vector<1000x1xf32>
    %add3A_19 = arith.addf %get3A_13, %get3A_18 : vector<1000x1xf32>
    %add3A_20 = arith.constant 1.000000e+00 : f32
    %add3A_21 = vector.broadcast %add3A_20 : f32 to vector<1000x1xf32>
    %add3A_22 = arith.addf %add3A_19, %add3A_21 : vector<1000x1xf32>
    %rsqrt3A = math.rsqrt %add3A_22 : vector<1000x1xf32>
    %get3A_23 = arith.constant 0 : index
    %get3A_24 = arith.constant 0 : index
    %get3A_25 = vector.load %arg2[%get3A_23, %get3A_24] : memref<1000x128xf32, #tpu.memory_space<vmem>>, vector<1000x128xf32>
    %add3A_26 = arith.addf %add3A, %get3A_25 : vector<1000x128xf32>
    %mul3A = vector.broadcast %rsqrt3A : vector<1000x1xf32> to vector<1000x128xf32>
    %mul3A_27 = arith.mulf %mul3A, %add3A_26 : vector<1000x128xf32>
    %get3A_28 = arith.constant 0 : index
    %get3A_29 = arith.constant 0 : index
    %get3A_30 = vector.load %arg4[%get3A_28, %get3A_29] : memref<1x128xf32, #tpu.memory_space<vmem>>, vector<1x128xf32>
    %add3A_31 = vector.broadcast %get3A_30 : vector<1x128xf32> to vector<1000x128xf32>
    %add3A_32 = arith.addf %mul3A_27, %add3A_31 : vector<1000x128xf32>
    %tanh3A = math.tanh %add3A_32 : vector<1000x128xf32>
    %swap3A = arith.constant 0 : index
    %swap3A_33 = arith.constant 0 : index
    %swap3A_34 = vector.load %arg8[%swap3A, %swap3A_33] : memref<1000x128xf32, #tpu.memory_space<vmem>>, vector<1000x128xf32>
    tpu.vector_store %arg8[%swap3A, %swap3A_33], %tanh3A {strides = array<i32>} : memref<1000x128xf32, #tpu.memory_space<vmem>>, vector<1000x128xf32>,
    %get3A_35 = arith.constant 0 : index
    %get3A_36 = arith.constant 0 : index
    %get3A_37 = vector.load %arg5[%get3A_35, %get3A_36] : memref<128x40xf32, #tpu.memory_space<vmem>>, vector<128x40xf32>
    %dot_general3A = arith.constant dense<0.000000e+00> : vector<1000x40xf32>
    %dot_general3A_38 = tpu.matmul %tanh3A, %get3A_37, %dot_general3A {dimension_numbers = #tpu.dot_dimension_numbers<[1], [0], [0], [1], [0, 0, 1, 1], [], []>, transpose_lhs_hint = false} : vector<1000x128xf32>, vector<128x40xf32>, vector<1000x40xf32> -> vector<1000x40xf32>
    %get3A_39 = arith.constant 0 : index
    %get3A_40 = arith.constant 0 : index
    %get3A_41 = vector.load %arg6[%get3A_39, %get3A_40] : memref<1x40xf32, #tpu.memory_space<vmem>>, vector<1x40xf32>
    %add3A_42 = vector.broadcast %get3A_41 : vector<1x40xf32> to vector<1000x40xf32>
    %add3A_43 = arith.addf %dot_general3A_38, %add3A_42 : vector<1000x40xf32>
    %swap3A_44 = arith.constant 0 : index
    %swap3A_45 = arith.constant 0 : index
    %swap3A_46 = vector.load %arg7[%swap3A_44, %swap3A_45] : memref<1000x40xf32, #tpu.memory_space<vmem>>, vector<1000x40xf32>
    tpu.vector_store %arg7[%swap3A_44, %swap3A_45], %add3A_43 {strides = array<i32>} : memref<1000x40xf32, #tpu.memory_space<vmem>>, vector<1000x40xf32>,
    return
  }
  func.func @transform_0(%arg0: i32) -> (i32, i32, i32) {
    %c0_i32 = arith.constant 0 : i32
    %c0_i32_0 = arith.constant 0 : i32
    %c0_i32_1 = arith.constant 0 : i32
    return %c0_i32, %arg0, %c0_i32_0 : i32, i32, i32
  }
  func.func @transform_1(%arg0: i32) -> (i32, i32) {
    %c0_i32 = arith.constant 0 : i32
    %c0_i32_0 = arith.constant 0 : i32
    return %arg0, %c0_i32 : i32, i32
  }
  func.func @transform_2(%arg0: i32) -> (i32, i32, i32) {
    %c0_i32 = arith.constant 0 : i32
    %c0_i32_0 = arith.constant 0 : i32
    %c0_i32_1 = arith.constant 0 : i32
    return %c0_i32, %arg0, %c0_i32_0 : i32, i32, i32
  }
  func.func @transform_3(%arg0: i32) -> (i32, i32) {
    %c0_i32 = arith.constant 0 : i32
    %c0_i32_0 = arith.constant 0 : i32
    %c0_i32_1 = arith.constant 0 : i32
    return %c0_i32, %c0_i32_0 : i32, i32
  }
  func.func @transform_4(%arg0: i32) -> (i32, i32) {
    %c0_i32 = arith.constant 0 : i32
    %c0_i32_0 = arith.constant 0 : i32
    %c0_i32_1 = arith.constant 0 : i32
    return %c0_i32, %c0_i32_0 : i32, i32
  }
  func.func @transform_5(%arg0: i32) -> (i32, i32) {
    %c0_i32 = arith.constant 0 : i32
    %c0_i32_0 = arith.constant 0 : i32
    %c0_i32_1 = arith.constant 0 : i32
    return %c0_i32, %c0_i32_0 : i32, i32
  }
  func.func @transform_6(%arg0: i32) -> (i32, i32) {
    %c0_i32 = arith.constant 0 : i32
    %c0_i32_0 = arith.constant 0 : i32
    return %arg0, %c0_i32 : i32, i32
  }
  func.func @transform_7(%arg0: i32) -> (i32, i32) {
    %c0_i32 = arith.constant 0 : i32
    %c0_i32_0 = arith.constant 0 : i32
    return %arg0, %c0_i32 : i32, i32
  }
}

</mosaic_0001>

<sc_bundles>
// kernel: kernel.11.cloned.1.call-start
scs
__scs_entry_jumppad:
0x0: {  	(pc) =	sbr.rel $0x88, $3  }
0x1: {  	(tag) =	ssettag $0x0;
	lr =	simm.s32 $0x1  }
0x2: {  	[smem:$0x3F99] =	sst lr;
	_ =	strace $0xD0000000  }
0x3: {  	_ = 	snop  }
0x4: {  	_ = 	snop  }
0x5: {  	_ = 	snop  }
0x6: {  	_ = 	snop  }
0x7: {  	_ = 	snop  }
__scs_overlays_trampoline_lowered:
0x8: {  	[smem:$0x3FA8] =	sst s0  }
0x9: {  	[smem:$0x3FA9] =	sst s1  }
0xa: {  	[smem:$0x3FAA] =	sst s2  }
0xb: {  	[smem:$0x3FAB] =	sst s3  }
0xc: {  	[smem:$0x3FAC] =	sst s4  }
0xd: {  	[smem:$0x3FAD] =	sst s5  }
0xe: {  	[smem:$0x3FAE] =	sst s6  }
0xf: {  	[smem:$0x3FAF] =	sst s7  }
0x10: {  	[smem:$0x3FB0] =	sst s8  }
0x11: {  	[smem:$0x3FB1] =	sst s9;
	s0 =	simm.s32 @!p0 $0x0  }
0x12: {  	s1 =	sld [smem:$0x3F97];
	s0 =	simm.s32 @p0 $0x1  }
0x13: {  	[smem:$0x3FB2] =	sst s0;
	s0 =	simm.s32 @!p1 $0x0  }
0x14: {  	s2 =	sld [smem:$0x3F96];
	s0 =	simm.s32 @p1 $0x1  }
0x15: {  	[smem:$0x3FB3] =	sst s0;
	s0 =	simm.s32 @!p2 $0x0  }
0x16: {  	s3 =	sld [smem:$0x3FDB];
	s0 =	simm.s32 @p2 $0x1  }
0x17: {  	s4 =	simm.s32 $0x1BF5;
	[smem:$0x3FB5] =	sst s0  }
0x18: {  	s0 =	sld [smem:$0x3F98];
	_ =	swait.ge [sflag:s4], $0x0  }
0x19: {  	s7 =	sld [smem:$0x3F99]  }
0x1a: {  	s8 =	sadd.s32 $0xFFFFE003, lr  }
0x1b: {  	s9 =	sadd.s32 $0xFFFFFEF7, lr;
	s5 =	simm.s32 $0xFFFFFFFF;
	p2 =	slt.u32 s8, $0xFFFFF086  }
0x1c: {  	p1 =	slt.u32 s9, $0xF7A;
	s5 =	simm.s32 @!p2 $0x0  }
0x1d: {  	s5 =	simm.s32 @p1 $0x1;
	p0 =	seq.s32 s7, s2  }
0x1e: {  	s7 =	smul.u32 @!p0 $0xF7A, s2;
	p2 =	seq.s32 @!p0 s5, $0x0  }
0x1f: {  	s9 =	smul.u32 $0xF7A, s1;
	s8 =	simm.s32 @!p0 $0x1BF5;
	p2 =	por !p2, p0  }
0x20: {  	[sflag:s8] =	ssyncset.s32 @!p0 $0xFFFFF086;
	s6 =	sadd.s32 @!p0 s3, s7;
	s7 =	simm.s32 @!p0 $0x108  }
0x21: {  	s3 =	sadd.s32 s3, s9;
	s6 =	sadd.s32 @!p0 $0x88, s6;
	s7 =	simm.s32 @p2 $0x1082  }
0x22: {  	[simem:s7], [sflag:s8] =	dma.local @!p0 [hbm:s6], $0xF7A  }
0x23: {  	s9 =	sor.u32 $0xD0000000, s2;
	s6 =	simm.s32 $0x108;
	_ =	swait.ge @!p0 [sflag:s8], $0x0  }
0x24: {  	s3 =	sadd.s32 $0x88, s3;
	s6 =	simm.s32 @!p1 $0x1082;
	[sflag:s4] =	ssyncset.s32 $0xFFFFF086  }
0x25: {  	[simem:s6], [sflag:s4] =	dma.local [hbm:s3], $0xF7A  }
0x26: {  	[smem:$0x3F99] =	sst s1;
	(tag) =	ssettag s2;
	_ =	strace s9  }
0x27: {  	s1 =	sld [smem:$0x3FA9]  }
0x28: {  	s2 =	sld [smem:$0x3FAA]  }
0x29: {  	s4 =	sld [smem:$0x3FAC]  }
0x2a: {  	p0 =	seq.s32 s5, $0x0;
	s5 =	sld [smem:$0x3FAD]  }
0x2b: {  	s6 =	sld [smem:$0x3FAE]  }
0x2c: {  	s7 =	sld [smem:$0x3FAF]  }
0x2d: {  	s3 =	simm.s32 $0x108;
	s8 =	sld [smem:$0x3FB0]  }
0x2e: {  	s3 =	simm.s32 @!p0 $0x1082;
	s9 =	sld [smem:$0x3FB1]  }
0x2f: {  	lr =	sadd.s32 s0, s3;
	s0 =	sld [smem:$0x3FA8]  }
0x30: {  	s3 =	sld [smem:$0x3FAB]  }
0x31: {  	[smem:$0x3FB4] =	sst s10  }
0x32: {  	s10 =	sld [smem:$0x3FB2];
	_ =	sdelay $0x3  }
0x33: {  	p0 =	seq.s32 s10, $0x1;
	s10 =	sld [smem:$0x3FB4];
	_ =	sdelay $0x3  }
0x34: {  	[smem:$0x3FB4] =	sst s10  }
0x35: {  	s10 =	sld [smem:$0x3FB3];
	_ =	sdelay $0x3  }
0x36: {  	p1 =	seq.s32 s10, $0x1;
	s10 =	sld [smem:$0x3FB4];
	_ =	sdelay $0x3  }
0x37: {  	[smem:$0x3FB4] =	sst s10  }
0x38: {  	s10 =	sld [smem:$0x3FB5]  }
0x39: {  	_ = 	snop;
	(pc) =	sbr.ind lr, $3  }
0x3a: {  	_ = 	snop  }
0x3b: {  	_ = 	snop  }
0x3c: {  	p2 =	seq.s32 s10, $0x1;
	s10 =	sld [smem:$0x3FB4]  }
0x3d: {  	_ =	shalt  }
0x3e: {  	_ =	shalt  }
0x3f: {  	_ =	shalt  }
0x40: {  	_ =	shalt  }
0x41: {  	_ =	shalt  }
0x42: {  	_ =	shalt  }
0x43: {  	_ =	shalt  }
0x44: {  	_ =	shalt  }
0x45: {  	_ =	shalt  }
0x46: {  	_ =	shalt  }
0x47: {  	_ =	shalt  }
0x48: {  	_ =	shalt  }
0x49: {  	_ =	shalt  }
0x4a: {  	_ =	shalt  }
0x4b: {  	_ =	shalt  }
0x4c: {  	_ =	shalt  }
0x4d: {  	_ =	shalt  }
0x4e: {  	_ =	shalt  }
0x4f: {  	_ =	shalt  }
0x50: {  	_ =	shalt  }
0x51: {  	_ =	shalt  }
0x52: {  	_ =	shalt  }
0x53: {  	_ =	shalt  }
0x54: {  	_ =	shalt  }
0x55: {  	_ =	shalt  }
0x56: {  	_ =	shalt  }
0x57: {  	_ =	shalt  }
0x58: {  	_ =	shalt  }
0x59: {  	_ =	shalt  }
0x5a: {  	_ =	shalt  }
0x5b: {  	_ =	shalt  }
0x5c: {  	_ =	shalt  }
0x5d: {  	_ =	shalt  }
0x5e: {  	_ =	shalt  }
0x5f: {  	_ =	shalt  }
0x60: {  	_ =	shalt  }
0x61: {  	_ =	shalt  }
0x62: {  	_ =	shalt  }
0x63: {  	_ =	shalt  }
0x64: {  	_ =	shalt  }
0x65: {  	_ =	shalt  }
0x66: {  	_ =	shalt  }
0x67: {  	_ =	shalt  }
0x68: {  	_ =	shalt  }
0x69: {  	_ =	shalt  }
0x6a: {  	_ =	shalt  }
0x6b: {  	_ =	shalt  }
0x6c: {  	_ =	shalt  }
0x6d: {  	_ =	shalt  }
0x6e: {  	_ =	shalt  }
0x6f: {  	_ =	shalt  }
0x70: {  	_ =	shalt  }
0x71: {  	_ =	shalt  }
0x72: {  	_ =	shalt  }
0x73: {  	_ =	shalt  }
0x74: {  	_ =	shalt  }
0x75: {  	_ =	shalt  }
0x76: {  	_ =	shalt  }
0x77: {  	_ =	shalt  }
0x78: {  	_ =	shalt  }
0x79: {  	_ =	shalt  }
0x7a: {  	_ =	shalt  }
0x7b: {  	_ =	shalt  }
0x7c: {  	_ =	shalt  }
0x7d: {  	_ =	shalt  }
0x7e: {  	_ =	shalt  }
0x7f: {  	_ =	shalt  }
0x80: {  	_ =	shalt  }
0x81: {  	_ =	shalt  }
0x82: {  	_ =	shalt  }
0x83: {  	_ =	shalt  }
0x84: {  	_ =	shalt  }
0x85: {  	_ =	shalt  }
0x86: {  	_ =	shalt  }
0x87: {  	_ =	shalt  }
.Lfunc_end0:
.L_simem_size_0:
called_computation.1_lowered:
.L_overlay_start_0:
0x88: {  	s2 =	sld [smem:$0x3FD9]  }
0x89: {  	s3 =	sld [smem:$0x3FFE];
	_ =	sdelay $0x1  }
0x8a: {  	s1 =	srdreg.scid  }
0x8b: {  	s0 =	sand.u32 $0x1, s1  }
0x8c: {  	s14 =	sshll.u32 s0, $0xA;
	s2 =	sadd.s32 s3, s2  }
0x8d: {  	s2 =	sadd.s32 s2, s14  }
0x8e: {  	[smem:$0x3FC0] =	sst s2  }
0x8f: {  	_ = 	snop  }
0x90: {  	s2 =	sld [smem:$0x3FD0];
	_ =	sdelay $0x2  }
0x91: {  	s15 =	simm.s32 $0xA;
	s4 =	simm.s32 $0x10  }
0x92: {  	[smem:s4], [sflag:s15] =	dma.local [hbm:s2], $0x1  }
0x93: {  	_ =	swait.eq [sflag:s15], $0x1  }
0x94: {  	[sflag:s15] =	ssyncset.done $0x0  }
0x95: {  	s16 =	sld [smem:$0x10];
	[sflag:s15] =	ssyncadd.s32 $0xFFFFFFFF  }
0x96: {  	s17 =	sld [smem:$0x11];
	(tm) =	ssettm $0x1  }
0x97: {  	s18 =	sld [smem:$0x3FFB];
	_ =	sdelay $0x3  }
0x98: {  	_ =	strace s18  }
0x99: {  	s4 =	sld [smem:$0x3FFC];
	_ =	sdelay $0x3  }
0x9a: {  	_ =	strace s4  }
0x9b: {  	s4 =	sld [smem:$0x3FFD];
	_ =	sdelay $0x3  }
0x9c: {  	_ =	strace s4  }
0x9d: {  	_ =	strace $0x8FFFFFFF  }
0x9e: {  	s19 =	sld [smem:$0x3FDB];
	_ =	sdelay $0x1  }
0x9f: {  	s5 =	simm.s32 $_scs_section_size  }
0xa0: {  	s6 =	simm.s32 $_size__tile_overlayer_lowered;
	s7 =	simm.s32 $_tile_overlayer_lowered  }
0xa1: {  	s22 =	simm.s32 $0x1BFF;
	s21 =	sshll.u32 s7, $0x1;
	s4 =	sadd.s32 s5, s19  }
0xa2: {  	s8 =	simm.s32 $0x0;
	s20 =	sshll.u32 s6, $0x1;
	s6 =	sadd.s32 s21, s4  }
0xa3: {  	[timem:s8], [sflag:s22] =	dma.local [hbm:s6], s20  }
0xa4: {  	_ =	swait.ge [sflag:s22], s20  }
0xa5: {  	s5 =	ssub.s32 $0x0, s20;
	[sflag:s22] =	ssyncset.done $0x0  }
0xa6: {  	[sflag:s22] =	ssyncadd.s32 s5;
	_ =	sdelay $0x1  }
0xa7: {  	s23 =	simm.s32 $0x1B8B  }
0xa8: {  	_ =	swait.ge [sflag:s23], $0x1  }
0xa9: {  	[sflag:s23] =	ssyncset.done $0x0  }
0xaa: {  	s25 =	simm.s32 $0x1B8E;
	s24 =	sld [smem:$0x3FFE];
	[sflag:s23] =	ssyncadd.s32 $0xFFFFFFFF  }
0xab: {  	s26 =	simm.s32 $execute0_lowered;
	[smem:$0x3FD2] =	sst s25  }
0xac: {  	s6 =	sshll.u32 s26, $0x1;
	_ =	strace $0x80000049;
	[dreg:$0x1] =	wrdreg $0xFFFFFFFF  }
0xad: {  	s28 =	simm.s32 $_size_execute0_lowered;
	s4 =	sadd.s32 s4, s6;
	[dreg:$0x0] =	wrdreg $0x0  }
0xae: {  	s6 =	sshll.u32 s28, $0x1;
	[dreg:$0x2] =	wrdreg s4  }
0xaf: {  	[dreg:$0x3] =	wrdreg s6  }
0xb0: {  	[dreg:$0x4] =	wrdreg $0xC0  }
0xb1: {  	_ =	task [dreg:s8], $0x5FFFF  }
0xb2: {  	[dreg:$0x1] =	wrdreg $0xFFFFFFFF  }
0xb3: {  	[dreg:$0x0] =	wrdreg $0x60  }
0xb4: {  	[dreg:$0x2] =	wrdreg s17  }
0xb5: {  	[dreg:$0x3] =	wrdreg s24  }
0xb6: {  	[dreg:$0x4] =	wrdreg s16  }
0xb7: {  	[dreg:$0x5] =	wrdreg $0x90000  }
0xb8: {  	[dreg:$0x6] =	wrdreg $0x9  }
0xb9: {  	_ =	task.clear_ibuf [dreg:s8], $0x7FFFF;
	_ =	strace $0x90000049  }
0xba: {  	s29 =	simm.s32 $0x9;
	_ =	strace $0x8000004B  }
0xbb: {  	_ =	swait.ge [sflag:s29], $0x1  }
0xbc: {  	[sflag:s29] =	ssyncadd.s32 $0xFFFFFFFF  }
0xbd: {  	_ =	strace $0x9000004B  }
0xbe: {  	_ =	sfence  }
0xbf: {  	s30 =	sld [smem:$0x0];
	_ =	sdelay $0x2  }
0xc0: {  	s31 =	sshll.u32 s1, $0xD;
	s1 =	sshrl.u32 s1, $0x2  }
0xc1: {  	s3 =	sand.u32 $0x4000, s31;
	s1 =	sadd.s32 s1, s30  }
0xc2: {  	s0 =	sor.u32 s3, s0;
	s1 =	sshll.u32 s1, $0x11  }
0xc3: {  	s0 =	sor.u32 s1, s0  }
0xc4: {  	s0 =	sadd.s32 $0x8F2B, s0  }
0xc5: {  	[sflag:s0] =	ssyncadd.remote.s32 $0x1  }
0xc6: {  	_ =	sfence.sel $0xFFFF  }
0xc7: {  	[dreg:$0x0] =	wrdreg $0xFFFFFFFF;
	(pc) =	sbr.abs _section_cstart, $3  }
0xc8: {  	[dreg:$0x1] =	wrdreg $0xFFFFFFFF  }
0xc9: {  	_ =	task.clear_ibuf [dreg:s8], $0x2FFFF;
	_ =	strace $0x9FFFFFFF  }
0xca: {  	(tm) =	ssettm $0x7FFFFFFF  }
0xcb: {  	_ =	shalt  }
tec
execute0_lowered:
.L_overlay_start_1:
0x0: {  	(tag) =	ssettag $0x1  }
0x1: {  	s1 =	rddreg [dreg:$0x0]  }
0x2: {  	s6 =	rddreg [dreg:$0x1]  }
0x3: {  	s7 =	rddreg [dreg:$0x2]  }
0x4: {  	s0 =	srdreg.scid;
	s3 =	rddreg [dreg:$0x3];
	s4 =	simm.s32 $0x0  }
0x5: {  	s13 =	simm.s32 $0x5000;
	s14 =	simm.s32 $0x2;
	s15 =	simm.s32 $0x2800  }
0x6: {  	s16 =	simm.s32 $0x80;
	s17 =	simm.s32 $0x1;
	s5 =	sand.u32 $0x1, s0  }
0x7: {  	s21 =	simm.s32 $0x0;
	s0 =	stileid.u32;
	s9 =	smul.u32 $0x28000, s5  }
0x8: {  	[smem:$0x7FF] =	sst s4;
	s2 =	sshll.u32 s5, $0x4;
	s10 =	smul.u32 $0x50000, s0  }
0x9: {  	s5 =	ssub.s32 $0x2, s5;
	s19 =	smul.u32 $0x2800, s0;
	s2 =	sor.u32 s0, s2  }
0xa: {  	s31 =	sshll.u32 s0, $0x6;
	s30 =	sshrl.u32 s5, $0x1;
	s8 =	smul.u32 $0x500, s2  }
0xb: {  	s2 =	rddreg [dreg:$0x4];
	_ =	strace $0x8000004A;
	s10 =	sshrl.u32 s10, $0x2  }
0xc: {  	s9 =	sadd.s32 s9, s6;
	s12 =	ssub.s32 s5, s30;
	s5 =	sadd.s32 s10, s3  }
0xd: {  	s18 =	sadd.s32 $0x5D000, s9;
	s11 =	sadd.s32 s8, s6;
	s7 =	sadd.s32 s7, s8  }
0xe: {  	s8 =	smax.u32 s12, $0x1;
	s9 =	sadd.s32 $0x4000, s5;
	s10 =	sadd.s32 $0x8000, s5  }
0xf: {  	s12 =	sadd.s32 $0x10000, s5;
	s18 =	sadd.s32 s19, s18;
	s19 =	sor.u32 $0x1C02, s31  }
0x10: {  	v0 =	vimm.f32 $0.0e+00;
	s20 =	sshrl.u32 s5, $0x3;
	s6 =	sadd.s32 $0x3000, s11;
	s11 =	sadd.s32 $0xC000, s5  }
.LBB2_1:
0x11: {  	s22 =	sand.u32 $0xFE00, s4  }
0x12: {  	s23 =	sand.u32 $0x70, s4;
	s24 =	sshrl.u32 s22, $0x2  }
0x13: {  	s22 =	simm.s32 $0x40;
	s24 =	sor.u32 s23, s24;
	s23 =	simm.s32 $0x0  }
.LBB2_2:
0x14: {  	p0 =	sne.s32 s22, $0xFFC0  }
0x15: {  	[tilespmem:s24+$0x5000] =	vst v0;
	s23 =	sadd.s32 $0x10, s23;
	s24 =	smov.u32 s22;
	s22 =	sadd.s32 $0x40, s22  }
.Ltmp0:
0x16: {  	(pc) =	sbr.rel @p0 .LBB2_2-.Ltmp0, $4  }
0x17: {  	_ = 	snop  }
0x18: {  	s24 =	sand.u32 $0xFE00, s24  }
0x19: {  	s25 =	sand.u32 $0x70, s23;
	s24 =	sshrl.u32 s24, $0x2  }
0x1a: {  	s24 =	sor.u32 s25, s24  }
0x1b: {  	[tilespmem:s24+$0x5000] =	vst v0  }
0x1c: {  	[spmem:s5] =	stream.linear.scatter [tilespmem:s13], [sflag:$0x2], $0x4000, $0x38;
	[tilespmem:$0x1D000] =	vst v63  }
0x1d: {  	_ =	swait.ge [sflag:s14], $0x4000  }
0x1e: {  	[sflag:s14] =	ssyncset.done $0x0  }
0x1f: {  	[sflag:s14] =	ssyncadd.s32 $0xFFFFC000  }
0x20: {  	[spmem:s9] =	stream.linear.scatter [tilespmem:s13], [sflag:$0x2], $0x4000, $0x38;
	[tilespmem:$0x1D000] =	vst v63  }
0x21: {  	_ =	swait.ge [sflag:s14], $0x4000  }
0x22: {  	[sflag:s14] =	ssyncset.done $0x0  }
0x23: {  	[sflag:s14] =	ssyncadd.s32 $0xFFFFC000  }
0x24: {  	[spmem:s10] =	stream.linear.scatter [tilespmem:s13], [sflag:$0x2], $0x4000, $0x38;
	[tilespmem:$0x1D000] =	vst v63  }
0x25: {  	_ =	swait.ge [sflag:s14], $0x4000  }
0x26: {  	[sflag:s14] =	ssyncset.done $0x0  }
0x27: {  	[sflag:s14] =	ssyncadd.s32 $0xFFFFC000  }
0x28: {  	[spmem:s11] =	stream.linear.scatter [tilespmem:s13], [sflag:$0x2], $0x4000, $0x38;
	[tilespmem:$0x1D000] =	vst v63  }
0x29: {  	_ =	swait.ge [sflag:s14], $0x4000  }
0x2a: {  	[sflag:s14] =	ssyncset.done $0x0  }
0x2b: {  	[sflag:s14] =	ssyncadd.s32 $0xFFFFC000  }
0x2c: {  	[spmem:s12] =	stream.linear.scatter [tilespmem:s13], [sflag:$0x2], $0x4000, $0x38;
	[tilespmem:$0x1D000] =	vst v63  }
0x2d: {  	_ =	swait.ge [sflag:s14], $0x4000  }
0x2e: {  	[sflag:s14] =	ssyncset.done $0x0  }
0x2f: {  	s22 =	simm.s32 $0x0;
	[sflag:s14] =	ssyncadd.s32 $0xFFFFC000  }
0x30: {  	[tilespmem:s22], [sflag:$0x2] =	stream.linear.gather [hbm4b:s6+s22], $0x2800, $0x38;
	[tilespmem:$0x1D000] =	vst v63  }
0x31: {  	_ =	swait.ge [sflag:s14], $0x2800  }
0x32: {  	[sflag:s14] =	ssyncset.done $0x0  }
0x33: {  	[sflag:s14] =	ssyncadd.s32 $0xFFFFD800  }
0x34: {  	[tilespmem:s15], [sflag:$0x2] =	stream.linear.gather [hbm4b:s7+s22], $0x2800, $0x38;
	[tilespmem:$0x1D000] =	vst v63  }
0x35: {  	_ =	swait.ge [sflag:s14], $0x2800  }
0x36: {  	[sflag:s14] =	ssyncset.done $0x0  }
0x37: {  	[sflag:s14] =	ssyncadd.s32 $0xFFFFD800  }
0x38: {  	s30 =	simm.s32 $0x0;
	[bflag:$0x0] =	sbarrier.arrive $0xFFFF  }
0x39: {  	[tilespmem:s13], [sflag:$0x1] =	stream.indirect.gather [hbm4b:s1+s16], $0x80, s30, s16, $0xb8;
	[tilespmem:$0x1D000] =	vst v63  }
0x3a: {  	_ =	swait.ge [sflag:s17], $0x4000  }
0x3b: {  	[sflag:s17] =	ssyncset.done $0x0  }
0x3c: {  	s31 =	simm.s32 $0x2800;
	[sflag:s17] =	ssyncadd.s32 $0xFFFFC000  }
0x3d: {  	[spmem:s3] =	stream.indirect.scatter.add.f32 [tilespmem:s13], [sflag:$0x2], $0x80, s31, s16, $0xb8;
	[tilespmem:$0x1D000] =	vst v63  }
0x3e: {  	_ =	swait.ge [sflag:s14], $0x4000  }
0x3f: {  	s23 =	simm.s32 $0x400;
	s22 =	simm.s32 $0x200;
	[sflag:s14] =	ssyncset.done $0x0  }
.LBB2_4:
0x40: {  	s24 =	sshra.s32 s22, $0x2  }
0x41: {  	[sflag:s14] =	ssyncadd.s32 $0xFFFFC000;
	s22 =	smov.u32 s23;
	s25 =	sadd.s32 $0x200, s23  }
0x42: {  	[tilespmem:s13], [sflag:$0x1] =	stream.indirect.gather [hbm4b:s1+s16], $0x80, s24, s16, $0xb8;
	[tilespmem:$0x1D000] =	vst v63  }
0x43: {  	p0 =	sne.s32 s23, $0x9E00;
	_ =	swait.ge [sflag:s17], $0x4000  }
.Ltmp1:
0x44: {  	[sflag:s17] =	ssyncset.done $0x0;
	(pc) =	sbr.rel @p0 .LBB2_4-.Ltmp1, $4  }
0x45: {  	s23 =	sadd.s32 $0x2800, s24;
	[sflag:s17] =	ssyncadd.s32 $0xFFFFC000  }
0x46: {  	[spmem:s3] =	stream.indirect.scatter.add.f32 [tilespmem:s13], [sflag:$0x2], $0x80, s23, s16, $0xb8;
	[tilespmem:$0x1D000] =	vst v63  }
0x47: {  	_ =	swait.ge [sflag:s14], $0x4000  }
0x48: {  	s23 =	smov.u32 s25;
	[sflag:s14] =	ssyncset.done $0x0  }
0x49: {  	s22 =	sshra.s32 s22, $0x2;
	[sflag:s14] =	ssyncadd.s32 $0xFFFFC000  }
0x4a: {  	[tilespmem:s13], [sflag:$0x1] =	stream.indirect.gather [hbm4b:s1+s16], $0x80, s22, s16, $0xb8;
	[tilespmem:$0x1D000] =	vst v63  }
0x4b: {  	_ =	swait.ge [sflag:s17], $0x4000  }
0x4c: {  	[sflag:s17] =	ssyncset.done $0x0  }
0x4d: {  	s22 =	sadd.s32 $0x2800, s22;
	[sflag:s17] =	ssyncadd.s32 $0xFFFFC000  }
0x4e: {  	[spmem:s3] =	stream.indirect.scatter.add.f32 [tilespmem:s13], [sflag:$0x2], $0x80, s22, s16, $0xb8;
	[tilespmem:$0x1D000] =	vst v63  }
0x4f: {  	_ =	swait.ge [sflag:s14], $0x4000  }
0x50: {  	s21 =	sadd.s32 $0x1, s21;
	[sflag:s14] =	ssyncset.done $0x0  }
0x51: {  	p0 =	sne.s32 s21, s8;
	[sflag:s14] =	ssyncadd.s32 $0xFFFFC000  }
.Ltmp2:
0x52: {  	[bflag:$0x0] =	sbarrier.arrive $0xFFFF;
	(pc) =	sbr.rel @p0 .LBB2_1-.Ltmp2, $4  }
0x53: {  	[hbm:s18], [sflag:s19] =	dma.local [spmem:s20], $0x2800  }
0x54: {  	_ =	swait.ge [sflag:s14], $0x2800  }
0x55: {  	[sflag:s14] =	ssyncset.done $0x0  }
0x56: {  	[sflag:s14] =	ssyncadd.s32 $0xFFFFD800  }
0x57: {  	_ =	sfence.sel $0x180000  }
0x58: {  	[bflag:$0x0] =	sbarrier.arrive $0xFFFF  }
0x59: {  	p0 =	sne.s32 s0, $0x0;
	_ =	strace $0x9000004A  }
0x5a: {  	s0 =	sadd.s32 @!p0 $0x100000, s2;
	[bflag:$0x2] =	sbarrier.arrive $0xFFFF  }
0x5b: {  	[sflag:s0] =	ssyncadd.tile.s32 @!p0 $0x1;
	_ =	shalt  }
.Lfunc_end2:
_tile_overlayer_lowered:
.L_overlay_start_2:
0x5c: {  	(tag) =	ssettag $0x2  }
0x5d: {  	s0 =	rddreg [dreg:$0x0];
	s2 =	stileid.u32  }
0x5e: {  	s1 =	rddreg [dreg:$0x1];
	p0 =	sne.s32 s2, $0x0  }
0x5f: {  	s3 =	rddreg [dreg:$0x2];
	[bflag:$0x3] =	sbarrier.arrive $0xFFFF;
	s2 =	simm.s32 @!p0 $0x1C02  }
0x60: {  	[timem:s3], [sflag:s2] =	dma.local @!p0 [hbm:s0], s1  }
0x61: {  	s0 =	simm.s32 @!p0 $0x2  }
0x62: {  	_ =	swait.ge @!p0 [sflag:s0], s1  }
0x63: {  	s1 =	ssub.s32 @!p0 $0x0, s1;
	[sflag:s0] =	ssyncset.done @!p0 $0x0  }
0x64: {  	[sflag:s0] =	ssyncadd.s32 @!p0 s1  }
0x65: {  	[bflag:$0x3] =	sbarrier.arrive $0xFFFF  }
0x66: {  	_ =	shalt  }

// kernel: kernel.14.cloned.1.call-start
scs
__scs_entry_jumppad:
0x0: {  	(pc) =	sbr.rel $0x88, $3  }
0x1: {  	(tag) =	ssettag $0x0;
	lr =	simm.s32 $0x1  }
0x2: {  	[smem:$0x3F99] =	sst lr;
	_ =	strace $0xD0000000  }
0x3: {  	_ = 	snop  }
0x4: {  	_ = 	snop  }
0x5: {  	_ = 	snop  }
0x6: {  	_ = 	snop  }
0x7: {  	_ = 	snop  }
__scs_overlays_trampoline_lowered:
0x8: {  	[smem:$0x3FA8] =	sst s0  }
0x9: {  	[smem:$0x3FA9] =	sst s1  }
0xa: {  	[smem:$0x3FAA] =	sst s2  }
0xb: {  	[smem:$0x3FAB] =	sst s3  }
0xc: {  	[smem:$0x3FAC] =	sst s4  }
0xd: {  	[smem:$0x3FAD] =	sst s5  }
0xe: {  	[smem:$0x3FAE] =	sst s6  }
0xf: {  	[smem:$0x3FAF] =	sst s7  }
0x10: {  	[smem:$0x3FB0] =	sst s8  }
0x11: {  	[smem:$0x3FB1] =	sst s9;
	s0 =	simm.s32 @!p0 $0x0  }
0x12: {  	s1 =	sld [smem:$0x3F97];
	s0 =	simm.s32 @p0 $0x1  }
0x13: {  	[smem:$0x3FB2] =	sst s0;
	s0 =	simm.s32 @!p1 $0x0  }
0x14: {  	s2 =	sld [smem:$0x3F96];
	s0 =	simm.s32 @p1 $0x1  }
0x15: {  	[smem:$0x3FB3] =	sst s0;
	s0 =	simm.s32 @!p2 $0x0  }
0x16: {  	s3 =	sld [smem:$0x3FDB];
	s0 =	simm.s32 @p2 $0x1  }
0x17: {  	s4 =	simm.s32 $0x1BF5;
	[smem:$0x3FB5] =	sst s0  }
0x18: {  	s0 =	sld [smem:$0x3F98];
	_ =	swait.ge [sflag:s4], $0x0  }
0x19: {  	s7 =	sld [smem:$0x3F99]  }
0x1a: {  	s8 =	sadd.s32 $0xFFFFE003, lr  }
0x1b: {  	s9 =	sadd.s32 $0xFFFFFEF7, lr;
	s5 =	simm.s32 $0xFFFFFFFF;
	p2 =	slt.u32 s8, $0xFFFFF086  }
0x1c: {  	p1 =	slt.u32 s9, $0xF7A;
	s5 =	simm.s32 @!p2 $0x0  }
0x1d: {  	s5 =	simm.s32 @p1 $0x1;
	p0 =	seq.s32 s7, s2  }
0x1e: {  	s7 =	smul.u32 @!p0 $0xF7A, s2;
	p2 =	seq.s32 @!p0 s5, $0x0  }
0x1f: {  	s9 =	smul.u32 $0xF7A, s1;
	s8 =	simm.s32 @!p0 $0x1BF5;
	p2 =	por !p2, p0  }
0x20: {  	[sflag:s8] =	ssyncset.s32 @!p0 $0xFFFFF086;
	s6 =	sadd.s32 @!p0 s3, s7;
	s7 =	simm.s32 @!p0 $0x108  }
0x21: {  	s3 =	sadd.s32 s3, s9;
	s6 =	sadd.s32 @!p0 $0x88, s6;
	s7 =	simm.s32 @p2 $0x1082  }
0x22: {  	[simem:s7], [sflag:s8] =	dma.local @!p0 [hbm:s6], $0xF7A  }
0x23: {  	s9 =	sor.u32 $0xD0000000, s2;
	s6 =	simm.s32 $0x108;
	_ =	swait.ge @!p0 [sflag:s8], $0x0  }
0x24: {  	s3 =	sadd.s32 $0x88, s3;
	s6 =	simm.s32 @!p1 $0x1082;
	[sflag:s4] =	ssyncset.s32 $0xFFFFF086  }
0x25: {  	[simem:s6], [sflag:s4] =	dma.local [hbm:s3], $0xF7A  }
0x26: {  	[smem:$0x3F99] =	sst s1;
	(tag) =	ssettag s2;
	_ =	strace s9  }
0x27: {  	s1 =	sld [smem:$0x3FA9]  }
0x28: {  	s2 =	sld [smem:$0x3FAA]  }
0x29: {  	s4 =	sld [smem:$0x3FAC]  }
0x2a: {  	p0 =	seq.s32 s5, $0x0;
	s5 =	sld [smem:$0x3FAD]  }
0x2b: {  	s6 =	sld [smem:$0x3FAE]  }
0x2c: {  	s7 =	sld [smem:$0x3FAF]  }
0x2d: {  	s3 =	simm.s32 $0x108;
	s8 =	sld [smem:$0x3FB0]  }
0x2e: {  	s3 =	simm.s32 @!p0 $0x1082;
	s9 =	sld [smem:$0x3FB1]  }
0x2f: {  	lr =	sadd.s32 s0, s3;
	s0 =	sld [smem:$0x3FA8]  }
0x30: {  	s3 =	sld [smem:$0x3FAB]  }
0x31: {  	[smem:$0x3FB4] =	sst s10  }
0x32: {  	s10 =	sld [smem:$0x3FB2];
	_ =	sdelay $0x3  }
0x33: {  	p0 =	seq.s32 s10, $0x1;
	s10 =	sld [smem:$0x3FB4];
	_ =	sdelay $0x3  }
0x34: {  	[smem:$0x3FB4] =	sst s10  }
0x35: {  	s10 =	sld [smem:$0x3FB3];
	_ =	sdelay $0x3  }
0x36: {  	p1 =	seq.s32 s10, $0x1;
	s10 =	sld [smem:$0x3FB4];
	_ =	sdelay $0x3  }
0x37: {  	[smem:$0x3FB4] =	sst s10  }
0x38: {  	s10 =	sld [smem:$0x3FB5]  }
0x39: {  	_ = 	snop;
	(pc) =	sbr.ind lr, $3  }
0x3a: {  	_ = 	snop  }
0x3b: {  	_ = 	snop  }
0x3c: {  	p2 =	seq.s32 s10, $0x1;
	s10 =	sld [smem:$0x3FB4]  }
0x3d: {  	_ =	shalt  }
0x3e: {  	_ =	shalt  }
0x3f: {  	_ =	shalt  }
0x40: {  	_ =	shalt  }
0x41: {  	_ =	shalt  }
0x42: {  	_ =	shalt  }
0x43: {  	_ =	shalt  }
0x44: {  	_ =	shalt  }
0x45: {  	_ =	shalt  }
0x46: {  	_ =	shalt  }
0x47: {  	_ =	shalt  }
0x48: {  	_ =	shalt  }
0x49: {  	_ =	shalt  }
0x4a: {  	_ =	shalt  }
0x4b: {  	_ =	shalt  }
0x4c: {  	_ =	shalt  }
0x4d: {  	_ =	shalt  }
0x4e: {  	_ =	shalt  }
0x4f: {  	_ =	shalt  }
0x50: {  	_ =	shalt  }
0x51: {  	_ =	shalt  }
0x52: {  	_ =	shalt  }
0x53: {  	_ =	shalt  }
0x54: {  	_ =	shalt  }
0x55: {  	_ =	shalt  }
0x56: {  	_ =	shalt  }
0x57: {  	_ =	shalt  }
0x58: {  	_ =	shalt  }
0x59: {  	_ =	shalt  }
0x5a: {  	_ =	shalt  }
0x5b: {  	_ =	shalt  }
0x5c: {  	_ =	shalt  }
0x5d: {  	_ =	shalt  }
0x5e: {  	_ =	shalt  }
0x5f: {  	_ =	shalt  }
0x60: {  	_ =	shalt  }
0x61: {  	_ =	shalt  }
0x62: {  	_ =	shalt  }
0x63: {  	_ =	shalt  }
0x64: {  	_ =	shalt  }
0x65: {  	_ =	shalt  }
0x66: {  	_ =	shalt  }
0x67: {  	_ =	shalt  }
0x68: {  	_ =	shalt  }
0x69: {  	_ =	shalt  }
0x6a: {  	_ =	shalt  }
0x6b: {  	_ =	shalt  }
0x6c: {  	_ =	shalt  }
0x6d: {  	_ =	shalt  }
0x6e: {  	_ =	shalt  }
0x6f: {  	_ =	shalt  }
0x70: {  	_ =	shalt  }
0x71: {  	_ =	shalt  }
0x72: {  	_ =	shalt  }
0x73: {  	_ =	shalt  }
0x74: {  	_ =	shalt  }
0x75: {  	_ =	shalt  }
0x76: {  	_ =	shalt  }
0x77: {  	_ =	shalt  }
0x78: {  	_ =	shalt  }
0x79: {  	_ =	shalt  }
0x7a: {  	_ =	shalt  }
0x7b: {  	_ =	shalt  }
0x7c: {  	_ =	shalt  }
0x7d: {  	_ =	shalt  }
0x7e: {  	_ =	shalt  }
0x7f: {  	_ =	shalt  }
0x80: {  	_ =	shalt  }
0x81: {  	_ =	shalt  }
0x82: {  	_ =	shalt  }
0x83: {  	_ =	shalt  }
0x84: {  	_ =	shalt  }
0x85: {  	_ =	shalt  }
0x86: {  	_ =	shalt  }
0x87: {  	_ =	shalt  }
.Lfunc_end0:
.L_simem_size_0:
called_computation.2_lowered:
.L_overlay_start_0:
0x88: {  	s2 =	sld [smem:$0x3FD9]  }
0x89: {  	s3 =	sld [smem:$0x3FFE];
	_ =	sdelay $0x1  }
0x8a: {  	s1 =	srdreg.scid  }
0x8b: {  	s0 =	sand.u32 $0x1, s1  }
0x8c: {  	s14 =	sshll.u32 s0, $0xA;
	s2 =	sadd.s32 s3, s2  }
0x8d: {  	s2 =	sadd.s32 s2, s14  }
0x8e: {  	[smem:$0x3FC0] =	sst s2  }
0x8f: {  	_ = 	snop  }
0x90: {  	s2 =	sld [smem:$0x3FD0];
	_ =	sdelay $0x2  }
0x91: {  	s15 =	simm.s32 $0xA;
	s4 =	simm.s32 $0x10  }
0x92: {  	[smem:s4], [sflag:s15] =	dma.local [hbm:s2], $0x1  }
0x93: {  	_ =	swait.eq [sflag:s15], $0x1  }
0x94: {  	[sflag:s15] =	ssyncset.done $0x0  }
0x95: {  	s16 =	sld [smem:$0x10];
	[sflag:s15] =	ssyncadd.s32 $0xFFFFFFFF  }
0x96: {  	s17 =	sld [smem:$0x11];
	(tm) =	ssettm $0x1  }
0x97: {  	s18 =	sld [smem:$0x3FFB];
	_ =	sdelay $0x3  }
0x98: {  	_ =	strace s18  }
0x99: {  	s4 =	sld [smem:$0x3FFC];
	_ =	sdelay $0x3  }
0x9a: {  	_ =	strace s4  }
0x9b: {  	s4 =	sld [smem:$0x3FFD];
	_ =	sdelay $0x3  }
0x9c: {  	_ =	strace s4  }
0x9d: {  	_ =	strace $0x8FFFFFFF  }
0x9e: {  	s19 =	sld [smem:$0x3FDB];
	_ =	sdelay $0x1  }
0x9f: {  	s5 =	simm.s32 $_scs_section_size  }
0xa0: {  	s6 =	simm.s32 $_size__tile_overlayer_lowered;
	s7 =	simm.s32 $_tile_overlayer_lowered  }
0xa1: {  	s22 =	simm.s32 $0x1BFF;
	s21 =	sshll.u32 s7, $0x1;
	s4 =	sadd.s32 s5, s19  }
0xa2: {  	s8 =	simm.s32 $0x0;
	s20 =	sshll.u32 s6, $0x1;
	s6 =	sadd.s32 s21, s4  }
0xa3: {  	[timem:s8], [sflag:s22] =	dma.local [hbm:s6], s20  }
0xa4: {  	_ =	swait.ge [sflag:s22], s20  }
0xa5: {  	s5 =	ssub.s32 $0x0, s20;
	[sflag:s22] =	ssyncset.done $0x0  }
0xa6: {  	[sflag:s22] =	ssyncadd.s32 s5;
	_ =	sdelay $0x1  }
0xa7: {  	s23 =	simm.s32 $0x1B8B  }
0xa8: {  	_ =	swait.ge [sflag:s23], $0x1  }
0xa9: {  	[sflag:s23] =	ssyncset.done $0x0  }
0xaa: {  	s25 =	simm.s32 $0x1B8E;
	s24 =	sld [smem:$0x3FFE];
	[sflag:s23] =	ssyncadd.s32 $0xFFFFFFFF  }
0xab: {  	s26 =	simm.s32 $execute0_lowered;
	[smem:$0x3FD2] =	sst s25  }
0xac: {  	s6 =	sshll.u32 s26, $0x1;
	_ =	strace $0x8000004C;
	[dreg:$0x1] =	wrdreg $0xFFFFFFFF  }
0xad: {  	s28 =	simm.s32 $_size_execute0_lowered;
	s4 =	sadd.s32 s4, s6;
	[dreg:$0x0] =	wrdreg $0x0  }
0xae: {  	s6 =	sshll.u32 s28, $0x1;
	[dreg:$0x2] =	wrdreg s4  }
0xaf: {  	[dreg:$0x3] =	wrdreg s6  }
0xb0: {  	[dreg:$0x4] =	wrdreg $0xC0  }
0xb1: {  	_ =	task [dreg:s8], $0x5FFFF  }
0xb2: {  	[dreg:$0x1] =	wrdreg $0xFFFFFFFF  }
0xb3: {  	[dreg:$0x0] =	wrdreg $0x60  }
0xb4: {  	[dreg:$0x2] =	wrdreg s17  }
0xb5: {  	[dreg:$0x3] =	wrdreg s24  }
0xb6: {  	[dreg:$0x4] =	wrdreg s16  }
0xb7: {  	[dreg:$0x5] =	wrdreg $0x90000  }
0xb8: {  	[dreg:$0x6] =	wrdreg $0x9  }
0xb9: {  	_ =	task.clear_ibuf [dreg:s8], $0x7FFFF;
	_ =	strace $0x9000004C  }
0xba: {  	s29 =	simm.s32 $0x9;
	_ =	strace $0x8000004E  }
0xbb: {  	_ =	swait.ge [sflag:s29], $0x1  }
0xbc: {  	[sflag:s29] =	ssyncadd.s32 $0xFFFFFFFF  }
0xbd: {  	_ =	strace $0x9000004E  }
0xbe: {  	_ =	sfence  }
0xbf: {  	s30 =	sld [smem:$0x0];
	_ =	sdelay $0x2  }
0xc0: {  	s31 =	sshll.u32 s1, $0xD;
	s1 =	sshrl.u32 s1, $0x2  }
0xc1: {  	s3 =	sand.u32 $0x4000, s31;
	s1 =	sadd.s32 s1, s30  }
0xc2: {  	s0 =	sor.u32 s3, s0;
	s1 =	sshll.u32 s1, $0x11  }
0xc3: {  	s0 =	sor.u32 s1, s0  }
0xc4: {  	s0 =	sadd.s32 $0x8F2B, s0  }
0xc5: {  	[sflag:s0] =	ssyncadd.remote.s32 $0x1  }
0xc6: {  	_ =	sfence.sel $0xFFFF  }
0xc7: {  	[dreg:$0x0] =	wrdreg $0xFFFFFFFF;
	(pc) =	sbr.abs _section_cstart, $3  }
0xc8: {  	[dreg:$0x1] =	wrdreg $0xFFFFFFFF  }
0xc9: {  	_ =	task.clear_ibuf [dreg:s8], $0x2FFFF;
	_ =	strace $0x9FFFFFFF  }
0xca: {  	(tm) =	ssettm $0x7FFFFFFF  }
0xcb: {  	_ =	shalt  }
tec
execute0_lowered:
.L_overlay_start_1:
0x0: {  	(tag) =	ssettag $0x1  }
0x1: {  	s1 =	rddreg [dreg:$0x0]  }
0x2: {  	s6 =	rddreg [dreg:$0x1]  }
0x3: {  	s7 =	rddreg [dreg:$0x2]  }
0x4: {  	s0 =	srdreg.scid;
	s3 =	rddreg [dreg:$0x3];
	s4 =	simm.s32 $0x0  }
0x5: {  	s13 =	simm.s32 $0x5000;
	s14 =	simm.s32 $0x2;
	s15 =	simm.s32 $0x2800  }
0x6: {  	s16 =	simm.s32 $0x80;
	s17 =	simm.s32 $0x1;
	s5 =	sand.u32 $0x1, s0  }
0x7: {  	s21 =	simm.s32 $0x0;
	s0 =	stileid.u32;
	s9 =	smul.u32 $0x28000, s5  }
0x8: {  	[smem:$0x7FF] =	sst s4;
	s2 =	sshll.u32 s5, $0x4;
	s10 =	smul.u32 $0x50000, s0  }
0x9: {  	s5 =	ssub.s32 $0x2, s5;
	s19 =	smul.u32 $0x2800, s0;
	s2 =	sor.u32 s0, s2  }
0xa: {  	s31 =	sshll.u32 s0, $0x6;
	s30 =	sshrl.u32 s5, $0x1;
	s8 =	smul.u32 $0x500, s2  }
0xb: {  	s2 =	rddreg [dreg:$0x4];
	_ =	strace $0x8000004D;
	s10 =	sshrl.u32 s10, $0x2  }
0xc: {  	s9 =	sadd.s32 s9, s6;
	s12 =	ssub.s32 s5, s30;
	s5 =	sadd.s32 s10, s3  }
0xd: {  	s18 =	sadd.s32 $0x5D000, s9;
	s11 =	sadd.s32 s8, s6;
	s7 =	sadd.s32 s7, s8  }
0xe: {  	s8 =	smax.u32 s12, $0x1;
	s9 =	sadd.s32 $0x4000, s5;
	s10 =	sadd.s32 $0x8000, s5  }
0xf: {  	s12 =	sadd.s32 $0x10000, s5;
	s18 =	sadd.s32 s19, s18;
	s19 =	sor.u32 $0x1C02, s31  }
0x10: {  	v0 =	vimm.f32 $0.0e+00;
	s20 =	sshrl.u32 s5, $0x3;
	s6 =	sadd.s32 $0x3000, s11;
	s11 =	sadd.s32 $0xC000, s5  }
.LBB2_1:
0x11: {  	s22 =	sand.u32 $0xFE00, s4  }
0x12: {  	s23 =	sand.u32 $0x70, s4;
	s24 =	sshrl.u32 s22, $0x2  }
0x13: {  	s22 =	simm.s32 $0x40;
	s24 =	sor.u32 s23, s24;
	s23 =	simm.s32 $0x0  }
.LBB2_2:
0x14: {  	p0 =	sne.s32 s22, $0xFFC0  }
0x15: {  	[tilespmem:s24+$0x5000] =	vst v0;
	s23 =	sadd.s32 $0x10, s23;
	s24 =	smov.u32 s22;
	s22 =	sadd.s32 $0x40, s22  }
.Ltmp0:
0x16: {  	(pc) =	sbr.rel @p0 .LBB2_2-.Ltmp0, $4  }
0x17: {  	_ = 	snop  }
0x18: {  	s24 =	sand.u32 $0xFE00, s24  }
0x19: {  	s25 =	sand.u32 $0x70, s23;
	s24 =	sshrl.u32 s24, $0x2  }
0x1a: {  	s24 =	sor.u32 s25, s24  }
0x1b: {  	[tilespmem:s24+$0x5000] =	vst v0  }
0x1c: {  	[spmem:s5] =	stream.linear.scatter [tilespmem:s13], [sflag:$0x2], $0x4000, $0x38;
	[tilespmem:$0x1D000] =	vst v63  }
0x1d: {  	_ =	swait.ge [sflag:s14], $0x4000  }
0x1e: {  	[sflag:s14] =	ssyncset.done $0x0  }
0x1f: {  	[sflag:s14] =	ssyncadd.s32 $0xFFFFC000  }
0x20: {  	[spmem:s9] =	stream.linear.scatter [tilespmem:s13], [sflag:$0x2], $0x4000, $0x38;
	[tilespmem:$0x1D000] =	vst v63  }
0x21: {  	_ =	swait.ge [sflag:s14], $0x4000  }
0x22: {  	[sflag:s14] =	ssyncset.done $0x0  }
0x23: {  	[sflag:s14] =	ssyncadd.s32 $0xFFFFC000  }
0x24: {  	[spmem:s10] =	stream.linear.scatter [tilespmem:s13], [sflag:$0x2], $0x4000, $0x38;
	[tilespmem:$0x1D000] =	vst v63  }
0x25: {  	_ =	swait.ge [sflag:s14], $0x4000  }
0x26: {  	[sflag:s14] =	ssyncset.done $0x0  }
0x27: {  	[sflag:s14] =	ssyncadd.s32 $0xFFFFC000  }
0x28: {  	[spmem:s11] =	stream.linear.scatter [tilespmem:s13], [sflag:$0x2], $0x4000, $0x38;
	[tilespmem:$0x1D000] =	vst v63  }
0x29: {  	_ =	swait.ge [sflag:s14], $0x4000  }
0x2a: {  	[sflag:s14] =	ssyncset.done $0x0  }
0x2b: {  	[sflag:s14] =	ssyncadd.s32 $0xFFFFC000  }
0x2c: {  	[spmem:s12] =	stream.linear.scatter [tilespmem:s13], [sflag:$0x2], $0x4000, $0x38;
	[tilespmem:$0x1D000] =	vst v63  }
0x2d: {  	_ =	swait.ge [sflag:s14], $0x4000  }
0x2e: {  	[sflag:s14] =	ssyncset.done $0x0  }
0x2f: {  	s22 =	simm.s32 $0x0;
	[sflag:s14] =	ssyncadd.s32 $0xFFFFC000  }
0x30: {  	[tilespmem:s22], [sflag:$0x2] =	stream.linear.gather [hbm4b:s6+s22], $0x2800, $0x38;
	[tilespmem:$0x1D000] =	vst v63  }
0x31: {  	_ =	swait.ge [sflag:s14], $0x2800  }
0x32: {  	[sflag:s14] =	ssyncset.done $0x0  }
0x33: {  	[sflag:s14] =	ssyncadd.s32 $0xFFFFD800  }
0x34: {  	[tilespmem:s15], [sflag:$0x2] =	stream.linear.gather [hbm4b:s7+s22], $0x2800, $0x38;
	[tilespmem:$0x1D000] =	vst v63  }
0x35: {  	_ =	swait.ge [sflag:s14], $0x2800  }
0x36: {  	[sflag:s14] =	ssyncset.done $0x0  }
0x37: {  	[sflag:s14] =	ssyncadd.s32 $0xFFFFD800  }
0x38: {  	s30 =	simm.s32 $0x0;
	[bflag:$0x0] =	sbarrier.arrive $0xFFFF  }
0x39: {  	[tilespmem:s13], [sflag:$0x1] =	stream.indirect.gather [hbm4b:s1+s16], $0x80, s30, s16, $0xb8;
	[tilespmem:$0x1D000] =	vst v63  }
0x3a: {  	_ =	swait.ge [sflag:s17], $0x4000  }
0x3b: {  	[sflag:s17] =	ssyncset.done $0x0  }
0x3c: {  	s31 =	simm.s32 $0x2800;
	[sflag:s17] =	ssyncadd.s32 $0xFFFFC000  }
0x3d: {  	[spmem:s3] =	stream.indirect.scatter.add.f32 [tilespmem:s13], [sflag:$0x2], $0x80, s31, s16, $0xb8;
	[tilespmem:$0x1D000] =	vst v63  }
0x3e: {  	_ =	swait.ge [sflag:s14], $0x4000  }
0x3f: {  	s23 =	simm.s32 $0x400;
	s22 =	simm.s32 $0x200;
	[sflag:s14] =	ssyncset.done $0x0  }
.LBB2_4:
0x40: {  	s24 =	sshra.s32 s22, $0x2  }
0x41: {  	[sflag:s14] =	ssyncadd.s32 $0xFFFFC000;
	s22 =	smov.u32 s23;
	s25 =	sadd.s32 $0x200, s23  }
0x42: {  	[tilespmem:s13], [sflag:$0x1] =	stream.indirect.gather [hbm4b:s1+s16], $0x80, s24, s16, $0xb8;
	[tilespmem:$0x1D000] =	vst v63  }
0x43: {  	p0 =	sne.s32 s23, $0x9E00;
	_ =	swait.ge [sflag:s17], $0x4000  }
.Ltmp1:
0x44: {  	[sflag:s17] =	ssyncset.done $0x0;
	(pc) =	sbr.rel @p0 .LBB2_4-.Ltmp1, $4  }
0x45: {  	s23 =	sadd.s32 $0x2800, s24;
	[sflag:s17] =	ssyncadd.s32 $0xFFFFC000  }
0x46: {  	[spmem:s3] =	stream.indirect.scatter.add.f32 [tilespmem:s13], [sflag:$0x2], $0x80, s23, s16, $0xb8;
	[tilespmem:$0x1D000] =	vst v63  }
0x47: {  	_ =	swait.ge [sflag:s14], $0x4000  }
0x48: {  	s23 =	smov.u32 s25;
	[sflag:s14] =	ssyncset.done $0x0  }
0x49: {  	s22 =	sshra.s32 s22, $0x2;
	[sflag:s14] =	ssyncadd.s32 $0xFFFFC000  }
0x4a: {  	[tilespmem:s13], [sflag:$0x1] =	stream.indirect.gather [hbm4b:s1+s16], $0x80, s22, s16, $0xb8;
	[tilespmem:$0x1D000] =	vst v63  }
0x4b: {  	_ =	swait.ge [sflag:s17], $0x4000  }
0x4c: {  	[sflag:s17] =	ssyncset.done $0x0  }
0x4d: {  	s22 =	sadd.s32 $0x2800, s22;
	[sflag:s17] =	ssyncadd.s32 $0xFFFFC000  }
0x4e: {  	[spmem:s3] =	stream.indirect.scatter.add.f32 [tilespmem:s13], [sflag:$0x2], $0x80, s22, s16, $0xb8;
	[tilespmem:$0x1D000] =	vst v63  }
0x4f: {  	_ =	swait.ge [sflag:s14], $0x4000  }
0x50: {  	s21 =	sadd.s32 $0x1, s21;
	[sflag:s14] =	ssyncset.done $0x0  }
0x51: {  	p0 =	sne.s32 s21, s8;
	[sflag:s14] =	ssyncadd.s32 $0xFFFFC000  }
.Ltmp2:
0x52: {  	[bflag:$0x0] =	sbarrier.arrive $0xFFFF;
	(pc) =	sbr.rel @p0 .LBB2_1-.Ltmp2, $4  }
0x53: {  	[hbm:s18], [sflag:s19] =	dma.local [spmem:s20], $0x2800  }
0x54: {  	_ =	swait.ge [sflag:s14], $0x2800  }
0x55: {  	[sflag:s14] =	ssyncset.done $0x0  }
0x56: {  	[sflag:s14] =	ssyncadd.s32 $0xFFFFD800  }
0x57: {  	_ =	sfence.sel $0x180000  }
0x58: {  	[bflag:$0x0] =	sbarrier.arrive $0xFFFF  }
0x59: {  	p0 =	sne.s32 s0, $0x0;
	_ =	strace $0x9000004D  }
0x5a: {  	s0 =	sadd.s32 @!p0 $0x100000, s2;
	[bflag:$0x2] =	sbarrier.arrive $0xFFFF  }
0x5b: {  	[sflag:s0] =	ssyncadd.tile.s32 @!p0 $0x1;
	_ =	shalt  }
.Lfunc_end2:
_tile_overlayer_lowered:
.L_overlay_start_2:
0x5c: {  	(tag) =	ssettag $0x2  }
0x5d: {  	s0 =	rddreg [dreg:$0x0];
	s2 =	stileid.u32  }
0x5e: {  	s1 =	rddreg [dreg:$0x1];
	p0 =	sne.s32 s2, $0x0  }
0x5f: {  	s3 =	rddreg [dreg:$0x2];
	[bflag:$0x3] =	sbarrier.arrive $0xFFFF;
	s2 =	simm.s32 @!p0 $0x1C02  }
0x60: {  	[timem:s3], [sflag:s2] =	dma.local @!p0 [hbm:s0], s1  }
0x61: {  	s0 =	simm.s32 @!p0 $0x2  }
0x62: {  	_ =	swait.ge @!p0 [sflag:s0], s1  }
0x63: {  	s1 =	ssub.s32 @!p0 $0x0, s1;
	[sflag:s0] =	ssyncset.done @!p0 $0x0  }
0x64: {  	[sflag:s0] =	ssyncadd.s32 @!p0 s1  }
0x65: {  	[bflag:$0x3] =	sbarrier.arrive $0xFFFF  }
0x66: {  	_ =	shalt  }

// kernel: kernel.8.cloned.1.call-start
scs
__scs_entry_jumppad:
0x0: {  	(pc) =	sbr.rel $0x88, $3  }
0x1: {  	(tag) =	ssettag $0x0;
	lr =	simm.s32 $0x1  }
0x2: {  	[smem:$0x3F99] =	sst lr;
	_ =	strace $0xD0000000  }
0x3: {  	_ = 	snop  }
0x4: {  	_ = 	snop  }
0x5: {  	_ = 	snop  }
0x6: {  	_ = 	snop  }
0x7: {  	_ = 	snop  }
__scs_overlays_trampoline_lowered:
0x8: {  	[smem:$0x3FA8] =	sst s0  }
0x9: {  	[smem:$0x3FA9] =	sst s1  }
0xa: {  	[smem:$0x3FAA] =	sst s2  }
0xb: {  	[smem:$0x3FAB] =	sst s3  }
0xc: {  	[smem:$0x3FAC] =	sst s4  }
0xd: {  	[smem:$0x3FAD] =	sst s5  }
0xe: {  	[smem:$0x3FAE] =	sst s6  }
0xf: {  	[smem:$0x3FAF] =	sst s7  }
0x10: {  	[smem:$0x3FB0] =	sst s8  }
0x11: {  	[smem:$0x3FB1] =	sst s9;
	s0 =	simm.s32 @!p0 $0x0  }
0x12: {  	s1 =	sld [smem:$0x3F97];
	s0 =	simm.s32 @p0 $0x1  }
0x13: {  	[smem:$0x3FB2] =	sst s0;
	s0 =	simm.s32 @!p1 $0x0  }
0x14: {  	s2 =	sld [smem:$0x3F96];
	s0 =	simm.s32 @p1 $0x1  }
0x15: {  	[smem:$0x3FB3] =	sst s0;
	s0 =	simm.s32 @!p2 $0x0  }
0x16: {  	s3 =	sld [smem:$0x3FDB];
	s0 =	simm.s32 @p2 $0x1  }
0x17: {  	s4 =	simm.s32 $0x1BF5;
	[smem:$0x3FB5] =	sst s0  }
0x18: {  	s0 =	sld [smem:$0x3F98];
	_ =	swait.ge [sflag:s4], $0x0  }
0x19: {  	s7 =	sld [smem:$0x3F99]  }
0x1a: {  	s8 =	sadd.s32 $0xFFFFE003, lr  }
0x1b: {  	s9 =	sadd.s32 $0xFFFFFEF7, lr;
	s5 =	simm.s32 $0xFFFFFFFF;
	p2 =	slt.u32 s8, $0xFFFFF086  }
0x1c: {  	p1 =	slt.u32 s9, $0xF7A;
	s5 =	simm.s32 @!p2 $0x0  }
0x1d: {  	s5 =	simm.s32 @p1 $0x1;
	p0 =	seq.s32 s7, s2  }
0x1e: {  	s7 =	smul.u32 @!p0 $0xF7A, s2;
	p2 =	seq.s32 @!p0 s5, $0x0  }
0x1f: {  	s9 =	smul.u32 $0xF7A, s1;
	s8 =	simm.s32 @!p0 $0x1BF5;
	p2 =	por !p2, p0  }
0x20: {  	[sflag:s8] =	ssyncset.s32 @!p0 $0xFFFFF086;
	s6 =	sadd.s32 @!p0 s3, s7;
	s7 =	simm.s32 @!p0 $0x108  }
0x21: {  	s3 =	sadd.s32 s3, s9;
	s6 =	sadd.s32 @!p0 $0x88, s6;
	s7 =	simm.s32 @p2 $0x1082  }
0x22: {  	[simem:s7], [sflag:s8] =	dma.local @!p0 [hbm:s6], $0xF7A  }
0x23: {  	s9 =	sor.u32 $0xD0000000, s2;
	s6 =	simm.s32 $0x108;
	_ =	swait.ge @!p0 [sflag:s8], $0x0  }
0x24: {  	s3 =	sadd.s32 $0x88, s3;
	s6 =	simm.s32 @!p1 $0x1082;
	[sflag:s4] =	ssyncset.s32 $0xFFFFF086  }
0x25: {  	[simem:s6], [sflag:s4] =	dma.local [hbm:s3], $0xF7A  }
0x26: {  	[smem:$0x3F99] =	sst s1;
	(tag) =	ssettag s2;
	_ =	strace s9  }
0x27: {  	s1 =	sld [smem:$0x3FA9]  }
0x28: {  	s2 =	sld [smem:$0x3FAA]  }
0x29: {  	s4 =	sld [smem:$0x3FAC]  }
0x2a: {  	p0 =	seq.s32 s5, $0x0;
	s5 =	sld [smem:$0x3FAD]  }
0x2b: {  	s6 =	sld [smem:$0x3FAE]  }
0x2c: {  	s7 =	sld [smem:$0x3FAF]  }
0x2d: {  	s3 =	simm.s32 $0x108;
	s8 =	sld [smem:$0x3FB0]  }
0x2e: {  	s3 =	simm.s32 @!p0 $0x1082;
	s9 =	sld [smem:$0x3FB1]  }
0x2f: {  	lr =	sadd.s32 s0, s3;
	s0 =	sld [smem:$0x3FA8]  }
0x30: {  	s3 =	sld [smem:$0x3FAB]  }
0x31: {  	[smem:$0x3FB4] =	sst s10  }
0x32: {  	s10 =	sld [smem:$0x3FB2];
	_ =	sdelay $0x3  }
0x33: {  	p0 =	seq.s32 s10, $0x1;
	s10 =	sld [smem:$0x3FB4];
	_ =	sdelay $0x3  }
0x34: {  	[smem:$0x3FB4] =	sst s10  }
0x35: {  	s10 =	sld [smem:$0x3FB3];
	_ =	sdelay $0x3  }
0x36: {  	p1 =	seq.s32 s10, $0x1;
	s10 =	sld [smem:$0x3FB4];
	_ =	sdelay $0x3  }
0x37: {  	[smem:$0x3FB4] =	sst s10  }
0x38: {  	s10 =	sld [smem:$0x3FB5]  }
0x39: {  	_ = 	snop;
	(pc) =	sbr.ind lr, $3  }
0x3a: {  	_ = 	snop  }
0x3b: {  	_ = 	snop  }
0x3c: {  	p2 =	seq.s32 s10, $0x1;
	s10 =	sld [smem:$0x3FB4]  }
0x3d: {  	_ =	shalt  }
0x3e: {  	_ =	shalt  }
0x3f: {  	_ =	shalt  }
0x40: {  	_ =	shalt  }
0x41: {  	_ =	shalt  }
0x42: {  	_ =	shalt  }
0x43: {  	_ =	shalt  }
0x44: {  	_ =	shalt  }
0x45: {  	_ =	shalt  }
0x46: {  	_ =	shalt  }
0x47: {  	_ =	shalt  }
0x48: {  	_ =	shalt  }
0x49: {  	_ =	shalt  }
0x4a: {  	_ =	shalt  }
0x4b: {  	_ =	shalt  }
0x4c: {  	_ =	shalt  }
0x4d: {  	_ =	shalt  }
0x4e: {  	_ =	shalt  }
0x4f: {  	_ =	shalt  }
0x50: {  	_ =	shalt  }
0x51: {  	_ =	shalt  }
0x52: {  	_ =	shalt  }
0x53: {  	_ =	shalt  }
0x54: {  	_ =	shalt  }
0x55: {  	_ =	shalt  }
0x56: {  	_ =	shalt  }
0x57: {  	_ =	shalt  }
0x58: {  	_ =	shalt  }
0x59: {  	_ =	shalt  }
0x5a: {  	_ =	shalt  }
0x5b: {  	_ =	shalt  }
0x5c: {  	_ =	shalt  }
0x5d: {  	_ =	shalt  }
0x5e: {  	_ =	shalt  }
0x5f: {  	_ =	shalt  }
0x60: {  	_ =	shalt  }
0x61: {  	_ =	shalt  }
0x62: {  	_ =	shalt  }
0x63: {  	_ =	shalt  }
0x64: {  	_ =	shalt  }
0x65: {  	_ =	shalt  }
0x66: {  	_ =	shalt  }
0x67: {  	_ =	shalt  }
0x68: {  	_ =	shalt  }
0x69: {  	_ =	shalt  }
0x6a: {  	_ =	shalt  }
0x6b: {  	_ =	shalt  }
0x6c: {  	_ =	shalt  }
0x6d: {  	_ =	shalt  }
0x6e: {  	_ =	shalt  }
0x6f: {  	_ =	shalt  }
0x70: {  	_ =	shalt  }
0x71: {  	_ =	shalt  }
0x72: {  	_ =	shalt  }
0x73: {  	_ =	shalt  }
0x74: {  	_ =	shalt  }
0x75: {  	_ =	shalt  }
0x76: {  	_ =	shalt  }
0x77: {  	_ =	shalt  }
0x78: {  	_ =	shalt  }
0x79: {  	_ =	shalt  }
0x7a: {  	_ =	shalt  }
0x7b: {  	_ =	shalt  }
0x7c: {  	_ =	shalt  }
0x7d: {  	_ =	shalt  }
0x7e: {  	_ =	shalt  }
0x7f: {  	_ =	shalt  }
0x80: {  	_ =	shalt  }
0x81: {  	_ =	shalt  }
0x82: {  	_ =	shalt  }
0x83: {  	_ =	shalt  }
0x84: {  	_ =	shalt  }
0x85: {  	_ =	shalt  }
0x86: {  	_ =	shalt  }
0x87: {  	_ =	shalt  }
.Lfunc_end0:
.L_simem_size_0:
called_computation_lowered:
.L_overlay_start_0:
0x88: {  	s2 =	sld [smem:$0x3FD9]  }
0x89: {  	s3 =	sld [smem:$0x3FFE];
	_ =	sdelay $0x1  }
0x8a: {  	s1 =	srdreg.scid  }
0x8b: {  	s0 =	sand.u32 $0x1, s1  }
0x8c: {  	s14 =	sshll.u32 s0, $0xA;
	s2 =	sadd.s32 s3, s2  }
0x8d: {  	s2 =	sadd.s32 s2, s14  }
0x8e: {  	[smem:$0x3FC0] =	sst s2  }
0x8f: {  	_ = 	snop  }
0x90: {  	s2 =	sld [smem:$0x3FD0];
	_ =	sdelay $0x2  }
0x91: {  	s15 =	simm.s32 $0xA;
	s4 =	simm.s32 $0x10  }
0x92: {  	[smem:s4], [sflag:s15] =	dma.local [hbm:s2], $0x1  }
0x93: {  	_ =	swait.eq [sflag:s15], $0x1  }
0x94: {  	[sflag:s15] =	ssyncset.done $0x0  }
0x95: {  	[sflag:s15] =	ssyncadd.s32 $0xFFFFFFFF  }
0x96: {  	s16 =	sld [smem:$0x10];
	(tm) =	ssettm $0x1  }
0x97: {  	s17 =	sld [smem:$0x3FFB];
	_ =	sdelay $0x3  }
0x98: {  	_ =	strace s17  }
0x99: {  	s3 =	sld [smem:$0x3FFC];
	_ =	sdelay $0x3  }
0x9a: {  	_ =	strace s3  }
0x9b: {  	s3 =	sld [smem:$0x3FFD];
	_ =	sdelay $0x3  }
0x9c: {  	_ =	strace s3  }
0x9d: {  	_ =	strace $0x8FFFFFFF  }
0x9e: {  	s18 =	sld [smem:$0x3FDB];
	_ =	sdelay $0x1  }
0x9f: {  	s19 =	simm.s32 $_scs_section_size  }
0xa0: {  	s5 =	simm.s32 $_size__tile_overlayer_lowered;
	s6 =	simm.s32 $_tile_overlayer_lowered  }
0xa1: {  	s22 =	simm.s32 $0x1BFF;
	s21 =	sshll.u32 s6, $0x1;
	s3 =	sadd.s32 s19, s18  }
0xa2: {  	s7 =	simm.s32 $0x0;
	s20 =	sshll.u32 s5, $0x1;
	s5 =	sadd.s32 s21, s3  }
0xa3: {  	[timem:s7], [sflag:s22] =	dma.local [hbm:s5], s20  }
0xa4: {  	_ =	swait.ge [sflag:s22], s20  }
0xa5: {  	s4 =	ssub.s32 $0x0, s20;
	[sflag:s22] =	ssyncset.done $0x0  }
0xa6: {  	[sflag:s22] =	ssyncadd.s32 s4;
	_ =	sdelay $0x1  }
0xa7: {  	s23 =	simm.s32 $0x1B8B  }
0xa8: {  	_ =	swait.ge [sflag:s23], $0x1  }
0xa9: {  	[sflag:s23] =	ssyncset.done $0x0  }
0xaa: {  	s25 =	simm.s32 $0x1B8E;
	s24 =	sld [smem:$0x3FFE];
	[sflag:s23] =	ssyncadd.s32 $0xFFFFFFFF  }
0xab: {  	s26 =	simm.s32 $execute0_lowered;
	[smem:$0x3FD2] =	sst s25  }
0xac: {  	s5 =	sshll.u32 s26, $0x1;
	_ =	strace $0x80000046;
	[dreg:$0x1] =	wrdreg $0xFFFFFFFF  }
0xad: {  	s28 =	simm.s32 $_size_execute0_lowered;
	s3 =	sadd.s32 s3, s5;
	[dreg:$0x0] =	wrdreg $0x0  }
0xae: {  	s5 =	sshll.u32 s28, $0x1;
	[dreg:$0x2] =	wrdreg s3  }
0xaf: {  	[dreg:$0x3] =	wrdreg s5  }
0xb0: {  	[dreg:$0x4] =	wrdreg $0xC0  }
0xb1: {  	_ =	task [dreg:s7], $0x5FFFF  }
0xb2: {  	[dreg:$0x1] =	wrdreg $0xFFFFFFFF  }
0xb3: {  	[dreg:$0x0] =	wrdreg $0x60  }
0xb4: {  	[dreg:$0x2] =	wrdreg s16  }
0xb5: {  	[dreg:$0x3] =	wrdreg s24  }
0xb6: {  	[dreg:$0x4] =	wrdreg $0x68000  }
0xb7: {  	[dreg:$0x5] =	wrdreg $0x9  }
0xb8: {  	_ =	task.clear_ibuf [dreg:s7], $0x6FFFF;
	_ =	strace $0x90000046  }
0xb9: {  	s29 =	simm.s32 $0x9;
	_ =	strace $0x80000048  }
0xba: {  	_ =	swait.ge [sflag:s29], $0x1  }
0xbb: {  	[sflag:s29] =	ssyncadd.s32 $0xFFFFFFFF  }
0xbc: {  	_ =	strace $0x90000048  }
0xbd: {  	_ =	sfence  }
0xbe: {  	s30 =	sld [smem:$0x0];
	_ =	sdelay $0x2  }
0xbf: {  	s31 =	sshll.u32 s1, $0xD;
	s1 =	sshrl.u32 s1, $0x2  }
0xc0: {  	s3 =	sand.u32 $0x4000, s31;
	s1 =	sadd.s32 s1, s30  }
0xc1: {  	s0 =	sor.u32 s3, s0;
	s1 =	sshll.u32 s1, $0x11  }
0xc2: {  	s0 =	sor.u32 s1, s0  }
0xc3: {  	s0 =	sadd.s32 $0x8F2B, s0  }
0xc4: {  	[sflag:s0] =	ssyncadd.remote.s32 $0x1  }
0xc5: {  	_ =	sfence.sel $0xFFFF  }
0xc6: {  	[dreg:$0x0] =	wrdreg $0xFFFFFFFF;
	(pc) =	sbr.abs _section_cstart, $3  }
0xc7: {  	[dreg:$0x1] =	wrdreg $0xFFFFFFFF  }
0xc8: {  	_ =	task.clear_ibuf [dreg:s7], $0x2FFFF;
	_ =	strace $0x9FFFFFFF  }
0xc9: {  	(tm) =	ssettm $0x7FFFFFFF  }
tec
execute0_lowered:
.L_overlay_start_1:
0x0: {  	(tag) =	ssettag $0x1  }
0x1: {  	s5 =	rddreg [dreg:$0x0]  }
0x2: {  	s4 =	rddreg [dreg:$0x1]  }
0x3: {  	s1 =	rddreg [dreg:$0x2]  }
0x4: {  	s0 =	rddreg [dreg:$0x3];
	s3 =	simm.s32 $0x0;
	s2 =	srdreg.scid  }
0x5: {  	s11 =	simm.s32 $0x2800;
	s6 =	sand.u32 $0x1, s2;
	s2 =	stileid.u32  }
0x6: {  	s12 =	simm.s32 $0x1;
	[smem:$0x7FF] =	sst s3;
	s8 =	smul.u32 $0x50000, s2  }
0x7: {  	s13 =	simm.s32 $0x80;
	_ =	strace $0x80000047;
	s9 =	smul.u32 $0x28000, s6  }
0x8: {  	s7 =	sshll.u32 s6, $0x4;
	s6 =	ssub.s32 $0x2, s6;
	s15 =	smul.u32 $0x2800, s2  }
0x9: {  	s16 =	sshll.u32 s2, $0x6;
	s7 =	sor.u32 s2, s7;
	s10 =	sshrl.u32 s6, $0x1  }
0xa: {  	s8 =	sshrl.u32 s8, $0x2;
	s7 =	smul.u32 $0x500, s7;
	s9 =	sadd.s32 s9, s4  }
0xb: {  	s6 =	ssub.s32 s6, s10;
	s4 =	sadd.s32 s8, s1;
	s14 =	sadd.s32 $0xD000, s9  }
0xc: {  	s6 =	smax.u32 s6, $0x1;
	s5 =	sadd.s32 s5, s7;
	s7 =	sadd.s32 $0x4000, s4  }
0xd: {  	s8 =	sadd.s32 $0x8000, s4;
	s9 =	sadd.s32 $0xC000, s4;
	s10 =	sadd.s32 $0x10000, s4  }
0xe: {  	v0 =	vimm.f32 $0.0e+00;
	v1 =	vimm.f32 $1.000000000e+00;
	s14 =	sadd.s32 s15, s14;
	s15 =	sor.u32 $0x1C01, s16;
	s16 =	sshrl.u32 s4, $0x3  }
.LBB2_1:
0xf: {  	s17 =	simm.s32 $0x200;
	s18 =	simm.s32 $0x0  }
.LBB2_2:
0x10: {  	p0 =	sne.s32 s17, $0xFE00;
	[tilespmem:s18+$0x2800] =	vst v0;
	s18 =	smov.u32 s17;
	s17 =	sadd.s32 $0x200, s17  }
.Ltmp0:
0x11: {  	(pc) =	sbr.rel @p0 .LBB2_2-.Ltmp0, $2  }
0x12: {  	_ =	sdelay $0x2  }
0x13: {  	s18 =	sshra.s32 s18, $0x2  }
0x14: {  	[tilespmem:s18+$0x2800] =	vst v0  }
0x15: {  	[spmem:s4] =	stream.linear.scatter [tilespmem:s11], [sflag:$0x1], $0x4000, $0x38;
	[tilespmem:$0x9000] =	vst v63  }
0x16: {  	_ =	swait.ge [sflag:s12], $0x4000  }
0x17: {  	[sflag:s12] =	ssyncset.done $0x0  }
0x18: {  	[sflag:s12] =	ssyncadd.s32 $0xFFFFC000  }
0x19: {  	[spmem:s7] =	stream.linear.scatter [tilespmem:s11], [sflag:$0x1], $0x4000, $0x38;
	[tilespmem:$0x9000] =	vst v63  }
0x1a: {  	_ =	swait.ge [sflag:s12], $0x4000  }
0x1b: {  	[sflag:s12] =	ssyncset.done $0x0  }
0x1c: {  	[sflag:s12] =	ssyncadd.s32 $0xFFFFC000  }
0x1d: {  	[spmem:s8] =	stream.linear.scatter [tilespmem:s11], [sflag:$0x1], $0x4000, $0x38;
	[tilespmem:$0x9000] =	vst v63  }
0x1e: {  	_ =	swait.ge [sflag:s12], $0x4000  }
0x1f: {  	[sflag:s12] =	ssyncset.done $0x0  }
0x20: {  	[sflag:s12] =	ssyncadd.s32 $0xFFFFC000  }
0x21: {  	[spmem:s9] =	stream.linear.scatter [tilespmem:s11], [sflag:$0x1], $0x4000, $0x38;
	[tilespmem:$0x9000] =	vst v63  }
0x22: {  	_ =	swait.ge [sflag:s12], $0x4000  }
0x23: {  	[sflag:s12] =	ssyncset.done $0x0  }
0x24: {  	[sflag:s12] =	ssyncadd.s32 $0xFFFFC000  }
0x25: {  	[spmem:s10] =	stream.linear.scatter [tilespmem:s11], [sflag:$0x1], $0x4000, $0x38;
	[tilespmem:$0x9000] =	vst v63  }
0x26: {  	_ =	swait.ge [sflag:s12], $0x4000  }
0x27: {  	[sflag:s12] =	ssyncset.done $0x0  }
0x28: {  	s17 =	simm.s32 $0x200;
	s18 =	simm.s32 $0x0;
	[sflag:s12] =	ssyncadd.s32 $0xFFFFC000  }
.LBB2_4:
0x29: {  	p0 =	sne.s32 s17, $0xFE00;
	[tilespmem:s18+$0x2800] =	vst v1;
	s18 =	smov.u32 s17;
	s17 =	sadd.s32 $0x200, s17  }
.Ltmp1:
0x2a: {  	(pc) =	sbr.rel @p0 .LBB2_4-.Ltmp1, $2  }
0x2b: {  	_ =	sdelay $0x2  }
0x2c: {  	s18 =	sshra.s32 s18, $0x2  }
0x2d: {  	[tilespmem:s18+$0x2800] =	vst v1  }
0x2e: {  	s17 =	simm.s32 $0x0;
	[bflag:$0x0] =	sbarrier.arrive $0xFFFF  }
0x2f: {  	[tilespmem:s17], [sflag:$0x1] =	stream.linear.gather [hbm4b:s5+s17], $0x2800, $0x38;
	[tilespmem:$0x9000] =	vst v63  }
0x30: {  	_ =	swait.ge [sflag:s12], $0x2800  }
0x31: {  	[sflag:s12] =	ssyncset.done $0x0  }
0x32: {  	s31 =	simm.s32 $0x0;
	[sflag:s12] =	ssyncadd.s32 $0xFFFFD800  }
0x33: {  	[spmem:s1] =	stream.indirect.scatter.add.f32 [tilespmem:s11], [sflag:$0x1], $0x10, s31, s13, $0xb8;
	[tilespmem:$0x9000] =	vst v63  }
0x34: {  	_ =	swait.ge [sflag:s12], $0x800  }
0x35: {  	s17 =	simm.s32 $0x200;
	[sflag:s12] =	ssyncset.done $0x0  }
.LBB2_6:
0x36: {  	s18 =	sshra.s32 s17, $0x2;
	[sflag:s12] =	ssyncadd.s32 $0xFFFFF800;
	p0 =	sne.s32 s17, $0x9E00  }
0x37: {  	[spmem:s1] =	stream.indirect.scatter.add.f32 [tilespmem:s11], [sflag:$0x1], $0x10, s18, s13, $0xb8;
	[tilespmem:$0x9000] =	vst v63  }
.Ltmp2:
0x38: {  	_ = 	snop;
	(pc) =	sbr.rel @p0 .LBB2_6-.Ltmp2, $4  }
0x39: {  	_ = 	snop  }
0x3a: {  	s17 =	sadd.s32 $0x200, s17  }
0x3b: {  	_ =	swait.ge [sflag:s12], $0x800  }
0x3c: {  	[sflag:s12] =	ssyncset.done $0x0  }
0x3d: {  	s3 =	sadd.s32 $0x1, s3  }
0x3e: {  	[sflag:s12] =	ssyncadd.s32 $0xFFFFF800;
	p0 =	sne.s32 s3, s6  }
.Ltmp3:
0x3f: {  	[bflag:$0x0] =	sbarrier.arrive $0xFFFF;
	(pc) =	sbr.rel @p0 .LBB2_1-.Ltmp3, $4  }
0x40: {  	[hbm:s14], [sflag:s15] =	dma.local [spmem:s16], $0x2800  }
0x41: {  	_ =	swait.ge [sflag:s12], $0x2800  }
0x42: {  	[sflag:s12] =	ssyncset.done $0x0  }
0x43: {  	[sflag:s12] =	ssyncadd.s32 $0xFFFFD800  }
0x44: {  	_ =	sfence.sel $0x180000  }
0x45: {  	[bflag:$0x0] =	sbarrier.arrive $0xFFFF  }
0x46: {  	p0 =	sne.s32 s2, $0x0;
	_ =	strace $0x90000047  }
0x47: {  	s0 =	sadd.s32 @!p0 $0x100000, s0;
	[bflag:$0x2] =	sbarrier.arrive $0xFFFF  }
0x48: {  	[sflag:s0] =	ssyncadd.tile.s32 @!p0 $0x1;
	_ =	shalt  }
.Lfunc_end2:
_tile_overlayer_lowered:
.L_overlay_start_2:
0x49: {  	(tag) =	ssettag $0x2  }
0x4a: {  	s0 =	rddreg [dreg:$0x0];
	s2 =	stileid.u32  }
0x4b: {  	s1 =	rddreg [dreg:$0x1];
	p0 =	sne.s32 s2, $0x0  }
0x4c: {  	s3 =	rddreg [dreg:$0x2];
	[bflag:$0x3] =	sbarrier.arrive $0xFFFF;
	s2 =	simm.s32 @!p0 $0x1C01  }
0x4d: {  	[timem:s3], [sflag:s2] =	dma.local @!p0 [hbm:s0], s1  }
0x4e: {  	s0 =	simm.s32 @!p0 $0x1  }
0x4f: {  	_ =	swait.ge @!p0 [sflag:s0], s1  }
0x50: {  	s1 =	ssub.s32 @!p0 $0x0, s1;
	[sflag:s0] =	ssyncset.done @!p0 $0x0  }
0x51: {  	[sflag:s0] =	ssyncadd.s32 @!p0 s1  }
0x52: {  	[bflag:$0x3] =	sbarrier.arrive $0xFFFF  }
0x53: {  	_ =	shalt  }

</sc_bundles>
